<compile_context>
chip_gen: v7x
topology: tpu7x:2x2x1
jax: 0.10.2.dev20260603
libtpu: 0.0.44.dev20260713+nightly
codegen_flags: <defaults>
</compile_context>

<pallas_src>
import functools

import jax
import jax.numpy as jnp
from jax import lax
from jax.experimental import pallas as pl
from jax.experimental.pallas import tpu as pltpu
from jax.experimental.pallas import tpu_sc as plsc

_INFO = plsc.get_sparse_core_info()
_NC = _INFO.num_cores
_NS = _INFO.num_subcores
_NW = _NC * _NS

_CHUNK = 128
_NBUF = 5


def _make_gather(total, dim):
    per_w = total // _NW
    nch = per_w // _CHUNK
    ngrp = nch // _NBUF
    nsup = ngrp // 2
    assert nch % (2 * _NBUF) == 0
    mesh = plsc.VectorSubcoreMesh(core_axis_name="c", subcore_axis_name="s")

    @functools.partial(
        pl.kernel,
        out_type=jax.ShapeDtypeStruct((_NW, nch, _CHUNK, dim), jnp.float32),
        mesh=mesh,
        scratch_types=[
            pltpu.VMEM((nch, _CHUNK), jnp.int32),
            pltpu.VMEM((2, _NBUF, _CHUNK, dim), jnp.float32),
            pltpu.SemaphoreType.DMA((2, _NBUF)),
            pltpu.SemaphoreType.DMA((2, _NBUF)),
        ],
        compiler_params=pltpu.CompilerParams(use_tc_tiling_on_sc=False),
    )
    def k(table_hbm, idx_hbm, out_hbm, idx_v, rows_v, gsem, ssem):
        wid = lax.axis_index("s") * _NC + lax.axis_index("c")
        pltpu.sync_copy(idx_hbm.at[wid], idx_v)

        def gather_start(j, p, b):
            pltpu.async_copy(
                table_hbm.at[idx_v.at[j]], rows_v.at[p, b], gsem.at[p, b]
            )

        def gather_wait(p, b):
            pltpu.make_async_copy(
                table_hbm.at[pl.ds(0, _CHUNK)], rows_v.at[p, b], gsem.at[p, b]
            ).wait()

        def scatter_start(j, p, b):
            pltpu.async_copy(
                rows_v.at[p, b], out_hbm.at[wid, j], ssem.at[p, b]
            )

        def scatter_wait(p, b):
            pltpu.make_async_copy(
                table_hbm.at[pl.ds(0, _CHUNK)], rows_v.at[p, b], ssem.at[p, b]
            ).wait()

        for b in range(_NBUF):
            gather_start(b, 0, b)

        def superstep(s, carry):
            for p in range(2):
                g = 2 * s + p
                for b in range(_NBUF):
                    j = g * _NBUF + b
                    gather_wait(p, b)
                    scatter_start(j, p, b)
                    jn = j + _NBUF
                    @pl.when(jn < nch)
                    def _():
                        @pl.when(g > 0)
                        def _():
                            scatter_wait(1 - p, b)
                        gather_start(jn, 1 - p, b)
            return carry

        lax.fori_loop(0, nsup, superstep, 0)

        for p in range(2):
            for b in range(_NBUF):
                scatter_wait(p, b)

    return k


def kernel(inputs, table):
    b, h = inputs.shape
    dim = table.shape[1]
    total = b * h
    idx = inputs.reshape(total).astype(jnp.int32)
    idx3 = idx.reshape(_NW, total // (_NW * _CHUNK), _CHUNK)
    out = _make_gather(total, dim)(table, idx3)
    return out.reshape(b, h, dim)

# --- scband reference (transcript-rebuilt; emitter-appended) ---
"""Pipeline reference for scband-extended-embedding-layer-40922448396459 (READ-ONLY COPY).

The authoritative reference and input builder live on the scoring server;
editing this copy changes nothing except your own understanding.
"""

import jax, jax.numpy as jnp
import numpy as np

NUM_EMBEDDINGS = 1000000
EMBEDDING_DIM = 32
PADDING_IDX = 0
BATCH = 4096
HIST = 200


def setup_inputs(seed: int = 0) -> dict:
    key = jax.random.key(seed)
    k1, k2 = jax.random.split(key)
    inputs = jax.random.randint(k1, (BATCH, HIST), 0, NUM_EMBEDDINGS)
    table = jax.random.normal(k2, (NUM_EMBEDDINGS, EMBEDDING_DIM), dtype=jnp.float32)
    # nn.Embedding zeroes the padding_idx row at init
    table = table.at[PADDING_IDX].set(0.0)
    return {"inputs": inputs, "table": table}


def reference(inputs, table):
    # inputs.view(inputs.shape[0], -1).long()
    idx = inputs.reshape(inputs.shape[0], -1)
    # self.emb(inputs) -> gather rows from table
    return jnp.take(table, idx, axis=0)

if __name__ == "__main__":
    import jax
    _d = setup_inputs()
    print(jax.jit(kernel)(*tuple(_d.values())))

</pallas_src>

<mosaic_0001>
#map = affine_map<(d0, d1) -> (0, 0)>
#map1 = affine_map<(d0, d1) -> (0, 0, 0)>
#map2 = affine_map<(d0, d1) -> (0, 0, 0, 0)>
module attributes {stable_mosaic.version = 14 : i64} {
  func.func @k(%arg0: i32, %arg1: i32, %arg2: memref<1000000x32xf32, #tpu.memory_space<hbm>>, %arg3: memref<32x200x128xi32, #tpu.memory_space<hbm>>, %arg4: memref<32x200x128x32xf32, #tpu.memory_space<hbm>>, %arg5: memref<200x128xi32, #tpu.memory_space<vmem>>, %arg6: memref<2x5x128x32xf32, #tpu.memory_space<vmem>>, %arg7: memref<2x5x!tpu.dma_semaphore, #tpu.memory_space<semaphore_mem>>, %arg8: memref<2x5x!tpu.dma_semaphore, #tpu.memory_space<semaphore_mem>>) attributes {dimension_semantics = [#tpu.dimension_semantics<core_parallel>, #tpu.dimension_semantics<subcore_parallel>], iteration_bounds = array<i64: 2, 16>, scalar_prefetch = 0 : i64, scratch_operands = 4 : i64, tpu.core_type = #tpu.core_type<sc_vector_subcore>, window_params = [{transform_indices = #map}, {transform_indices = #map1}, {transform_indices = #map2}]} {
    %mul3A = arith.constant 2 : i32
    %mul3A_0 = arith.muli %arg1, %mul3A : i32
    %add3A = arith.addi %mul3A_0, %arg0 : i32
    "tpu.region"() ({
      %run_scoped3A = tpu.sem_alloc : memref<!tpu.dma_semaphore, #tpu.memory_space<semaphore_mem>>
      %dma_start3A_289 = arith.constant 0 : i32
      %dma_start3A_290 = arith.constant 0 : i32
      %dma_start3A_291 = tpu.memref_slice %arg3[%add3A, %dma_start3A_289, %dma_start3A_290] : memref<32x200x128xi32, #tpu.memory_space<hbm>> -> memref<1x200x128xi32, #tpu.memory_space<hbm>>
      %dma_start3A_292 = tpu.memref_squeeze %dma_start3A_291 : memref<1x200x128xi32, #tpu.memory_space<hbm>> -> memref<200x128xi32, #tpu.memory_space<hbm>>
      %dma_start3A_293 = arith.constant 0 : i32
      %dma_start3A_294 = arith.constant 0 : i32
      %dma_start3A_295 = tpu.memref_slice %arg3[%add3A, %dma_start3A_293, %dma_start3A_294] : memref<32x200x128xi32, #tpu.memory_space<hbm>> -> memref<1x200x128xi32, #tpu.memory_space<hbm>>
      %dma_start3A_296 = tpu.memref_squeeze %dma_start3A_295 : memref<1x200x128xi32, #tpu.memory_space<hbm>> -> memref<200x128xi32, #tpu.memory_space<hbm>>
      tpu.enqueue_dma source(%dma_start3A_296 : memref<200x128xi32, #tpu.memory_space<hbm>>) target(%arg5 : memref<200x128xi32, #tpu.memory_space<vmem>>) target_semaphore(%run_scoped3A : memref<!tpu.dma_semaphore, #tpu.memory_space<semaphore_mem>>)
      %dma_wait3A_297 = arith.constant 0 : i32
      %dma_wait3A_298 = arith.constant 0 : i32
      %dma_wait3A_299 = tpu.memref_slice %arg3[%add3A, %dma_wait3A_297, %dma_wait3A_298] : memref<32x200x128xi32, #tpu.memory_space<hbm>> -> memref<1x200x128xi32, #tpu.memory_space<hbm>>
      %dma_wait3A_300 = tpu.memref_squeeze %dma_wait3A_299 : memref<1x200x128xi32, #tpu.memory_space<hbm>> -> memref<200x128xi32, #tpu.memory_space<hbm>>
      %dma_wait3A_301 = arith.constant 0 : i32
      %dma_wait3A_302 = arith.constant 0 : i32
      %dma_wait3A_303 = tpu.memref_slice %arg3[%add3A, %dma_wait3A_301, %dma_wait3A_302] : memref<32x200x128xi32, #tpu.memory_space<hbm>> -> memref<1x200x128xi32, #tpu.memory_space<hbm>>
      %dma_wait3A_304 = tpu.memref_squeeze %dma_wait3A_303 : memref<1x200x128xi32, #tpu.memory_space<hbm>> -> memref<200x128xi32, #tpu.memory_space<hbm>>
      tpu.wait_dma2 semaphore(%run_scoped3A : memref<!tpu.dma_semaphore, #tpu.memory_space<semaphore_mem>>) src(%dma_wait3A_304 : memref<200x128xi32, #tpu.memory_space<hbm>>) dst(%arg5 : memref<200x128xi32, #tpu.memory_space<vmem>>)
      tpu.yield
    }) : () -> ()
    %dma_start3A = arith.constant 0 : i32
    %dma_start3A_1 = arith.constant 0 : i32
    %dma_start3A_2 = arith.constant 0 : i32
    %dma_start3A_3 = arith.constant 0 : i32
    %dma_start3A_4 = arith.constant 0 : i32
    %dma_start3A_5 = arith.constant 0 : i32
    %dma_start3A_6 = arith.constant 0 : i32
    %dma_start3A_7 = tpu.memref_slice %arg6[%dma_start3A_1, %dma_start3A_2, %dma_start3A_5, %dma_start3A_6] : memref<2x5x128x32xf32, #tpu.memory_space<vmem>> -> memref<1x1x128x32xf32, #tpu.memory_space<vmem>>
    %dma_start3A_8 = tpu.memref_squeeze %dma_start3A_7 : memref<1x1x128x32xf32, #tpu.memory_space<vmem>> -> memref<128x32xf32, #tpu.memory_space<vmem>>
    %dma_start3A_9 = arith.constant 0 : i32
    %dma_start3A_10 = tpu.memref_slice %arg5[%dma_start3A, %dma_start3A_9] : memref<200x128xi32, #tpu.memory_space<vmem>> -> memref<1x128xi32, #tpu.memory_space<vmem>>
    %dma_start3A_11 = tpu.memref_squeeze %dma_start3A_10 : memref<1x128xi32, #tpu.memory_space<vmem>> -> memref<128xi32, #tpu.memory_space<vmem>>
    %dma_start3A_12 = arith.constant 0 : i32
    %dma_start3A_13 = arith.constant 0 : i32
    %dma_start3A_14 = tpu.memref_slice %arg2[%dma_start3A_12, %dma_start3A_13] : memref<1000000x32xf32, #tpu.memory_space<hbm>> -> memref<1000000x32xf32, #tpu.memory_space<hbm>>
    %dma_start3A_15 = tpu.memref_slice %arg7[%dma_start3A_3, %dma_start3A_4] : memref<2x5x!tpu.dma_semaphore, #tpu.memory_space<semaphore_mem>> -> memref<1x1x!tpu.dma_semaphore, #tpu.memory_space<semaphore_mem>>
    %dma_start3A_16 = tpu.memref_squeeze %dma_start3A_15 : memref<1x1x!tpu.dma_semaphore, #tpu.memory_space<semaphore_mem>> -> memref<!tpu.dma_semaphore, #tpu.memory_space<semaphore_mem>>
    tpu.enqueue_indirect_dma source(%dma_start3A_14 : memref<1000000x32xf32, #tpu.memory_space<hbm>>) target(%dma_start3A_8 : memref<128x32xf32, #tpu.memory_space<vmem>>) offsets(%dma_start3A_11 : memref<128xi32, #tpu.memory_space<vmem>>) semaphore(%dma_start3A_16 : memref<!tpu.dma_semaphore, #tpu.memory_space<semaphore_mem>>)
    %dma_start3A_17 = arith.constant 1 : i32
    %dma_start3A_18 = arith.constant 0 : i32
    %dma_start3A_19 = arith.constant 1 : i32
    %dma_start3A_20 = arith.constant 0 : i32
    %dma_start3A_21 = arith.constant 1 : i32
    %dma_start3A_22 = arith.constant 0 : i32
    %dma_start3A_23 = arith.constant 0 : i32
    %dma_start3A_24 = tpu.memref_slice %arg6[%dma_start3A_18, %dma_start3A_19, %dma_start3A_22, %dma_start3A_23] : memref<2x5x128x32xf32, #tpu.memory_space<vmem>> -> memref<1x1x128x32xf32, #tpu.memory_space<vmem>>
    %dma_start3A_25 = tpu.memref_squeeze %dma_start3A_24 : memref<1x1x128x32xf32, #tpu.memory_space<vmem>> -> memref<128x32xf32, #tpu.memory_space<vmem>>
    %dma_start3A_26 = arith.constant 0 : i32
    %dma_start3A_27 = tpu.memref_slice %arg5[%dma_start3A_17, %dma_start3A_26] : memref<200x128xi32, #tpu.memory_space<vmem>> -> memref<1x128xi32, #tpu.memory_space<vmem>>
    %dma_start3A_28 = tpu.memref_squeeze %dma_start3A_27 : memref<1x128xi32, #tpu.memory_space<vmem>> -> memref<128xi32, #tpu.memory_space<vmem>>
    %dma_start3A_29 = arith.constant 0 : i32
    %dma_start3A_30 = arith.constant 0 : i32
    %dma_start3A_31 = tpu.memref_slice %arg2[%dma_start3A_29, %dma_start3A_30] : memref<1000000x32xf32, #tpu.memory_space<hbm>> -> memref<1000000x32xf32, #tpu.memory_space<hbm>>
    %dma_start3A_32 = tpu.memref_slice %arg7[%dma_start3A_20, %dma_start3A_21] : memref<2x5x!tpu.dma_semaphore, #tpu.memory_space<semaphore_mem>> -> memref<1x1x!tpu.dma_semaphore, #tpu.memory_space<semaphore_mem>>
    %dma_start3A_33 = tpu.memref_squeeze %dma_start3A_32 : memref<1x1x!tpu.dma_semaphore, #tpu.memory_space<semaphore_mem>> -> memref<!tpu.dma_semaphore, #tpu.memory_space<semaphore_mem>>
    tpu.enqueue_indirect_dma source(%dma_start3A_31 : memref<1000000x32xf32, #tpu.memory_space<hbm>>) target(%dma_start3A_25 : memref<128x32xf32, #tpu.memory_space<vmem>>) offsets(%dma_start3A_28 : memref<128xi32, #tpu.memory_space<vmem>>) semaphore(%dma_start3A_33 : memref<!tpu.dma_semaphore, #tpu.memory_space<semaphore_mem>>)
    %dma_start3A_34 = arith.constant 2 : i32
    %dma_start3A_35 = arith.constant 0 : i32
    %dma_start3A_36 = arith.constant 2 : i32
    %dma_start3A_37 = arith.constant 0 : i32
    %dma_start3A_38 = arith.constant 2 : i32
    %dma_start3A_39 = arith.constant 0 : i32
    %dma_start3A_40 = arith.constant 0 : i32
    %dma_start3A_41 = tpu.memref_slice %arg6[%dma_start3A_35, %dma_start3A_36, %dma_start3A_39, %dma_start3A_40] : memref<2x5x128x32xf32, #tpu.memory_space<vmem>> -> memref<1x1x128x32xf32, #tpu.memory_space<vmem>>
    %dma_start3A_42 = tpu.memref_squeeze %dma_start3A_41 : memref<1x1x128x32xf32, #tpu.memory_space<vmem>> -> memref<128x32xf32, #tpu.memory_space<vmem>>
    %dma_start3A_43 = arith.constant 0 : i32
    %dma_start3A_44 = tpu.memref_slice %arg5[%dma_start3A_34, %dma_start3A_43] : memref<200x128xi32, #tpu.memory_space<vmem>> -> memref<1x128xi32, #tpu.memory_space<vmem>>
    %dma_start3A_45 = tpu.memref_squeeze %dma_start3A_44 : memref<1x128xi32, #tpu.memory_space<vmem>> -> memref<128xi32, #tpu.memory_space<vmem>>
    %dma_start3A_46 = arith.constant 0 : i32
    %dma_start3A_47 = arith.constant 0 : i32
    %dma_start3A_48 = tpu.memref_slice %arg2[%dma_start3A_46, %dma_start3A_47] : memref<1000000x32xf32, #tpu.memory_space<hbm>> -> memref<1000000x32xf32, #tpu.memory_space<hbm>>
    %dma_start3A_49 = tpu.memref_slice %arg7[%dma_start3A_37, %dma_start3A_38] : memref<2x5x!tpu.dma_semaphore, #tpu.memory_space<semaphore_mem>> -> memref<1x1x!tpu.dma_semaphore, #tpu.memory_space<semaphore_mem>>
    %dma_start3A_50 = tpu.memref_squeeze %dma_start3A_49 : memref<1x1x!tpu.dma_semaphore, #tpu.memory_space<semaphore_mem>> -> memref<!tpu.dma_semaphore, #tpu.memory_space<semaphore_mem>>
    tpu.enqueue_indirect_dma source(%dma_start3A_48 : memref<1000000x32xf32, #tpu.memory_space<hbm>>) target(%dma_start3A_42 : memref<128x32xf32, #tpu.memory_space<vmem>>) offsets(%dma_start3A_45 : memref<128xi32, #tpu.memory_space<vmem>>) semaphore(%dma_start3A_50 : memref<!tpu.dma_semaphore, #tpu.memory_space<semaphore_mem>>)
    %dma_start3A_51 = arith.constant 3 : i32
    %dma_start3A_52 = arith.constant 0 : i32
    %dma_start3A_53 = arith.constant 3 : i32
    %dma_start3A_54 = arith.constant 0 : i32
    %dma_start3A_55 = arith.constant 3 : i32
    %dma_start3A_56 = arith.constant 0 : i32
    %dma_start3A_57 = arith.constant 0 : i32
    %dma_start3A_58 = tpu.memref_slice %arg6[%dma_start3A_52, %dma_start3A_53, %dma_start3A_56, %dma_start3A_57] : memref<2x5x128x32xf32, #tpu.memory_space<vmem>> -> memref<1x1x128x32xf32, #tpu.memory_space<vmem>>
    %dma_start3A_59 = tpu.memref_squeeze %dma_start3A_58 : memref<1x1x128x32xf32, #tpu.memory_space<vmem>> -> memref<128x32xf32, #tpu.memory_space<vmem>>
    %dma_start3A_60 = arith.constant 0 : i32
    %dma_start3A_61 = tpu.memref_slice %arg5[%dma_start3A_51, %dma_start3A_60] : memref<200x128xi32, #tpu.memory_space<vmem>> -> memref<1x128xi32, #tpu.memory_space<vmem>>
    %dma_start3A_62 = tpu.memref_squeeze %dma_start3A_61 : memref<1x128xi32, #tpu.memory_space<vmem>> -> memref<128xi32, #tpu.memory_space<vmem>>
    %dma_start3A_63 = arith.constant 0 : i32
    %dma_start3A_64 = arith.constant 0 : i32
    %dma_start3A_65 = tpu.memref_slice %arg2[%dma_start3A_63, %dma_start3A_64] : memref<1000000x32xf32, #tpu.memory_space<hbm>> -> memref<1000000x32xf32, #tpu.memory_space<hbm>>
    %dma_start3A_66 = tpu.memref_slice %arg7[%dma_start3A_54, %dma_start3A_55] : memref<2x5x!tpu.dma_semaphore, #tpu.memory_space<semaphore_mem>> -> memref<1x1x!tpu.dma_semaphore, #tpu.memory_space<semaphore_mem>>
    %dma_start3A_67 = tpu.memref_squeeze %dma_start3A_66 : memref<1x1x!tpu.dma_semaphore, #tpu.memory_space<semaphore_mem>> -> memref<!tpu.dma_semaphore, #tpu.memory_space<semaphore_mem>>
    tpu.enqueue_indirect_dma source(%dma_start3A_65 : memref<1000000x32xf32, #tpu.memory_space<hbm>>) target(%dma_start3A_59 : memref<128x32xf32, #tpu.memory_space<vmem>>) offsets(%dma_start3A_62 : memref<128xi32, #tpu.memory_space<vmem>>) semaphore(%dma_start3A_67 : memref<!tpu.dma_semaphore, #tpu.memory_space<semaphore_mem>>)
    %dma_start3A_68 = arith.constant 4 : i32
    %dma_start3A_69 = arith.constant 0 : i32
    %dma_start3A_70 = arith.constant 4 : i32
    %dma_start3A_71 = arith.constant 0 : i32
    %dma_start3A_72 = arith.constant 4 : i32
    %dma_start3A_73 = arith.constant 0 : i32
    %dma_start3A_74 = arith.constant 0 : i32
    %dma_start3A_75 = tpu.memref_slice %arg6[%dma_start3A_69, %dma_start3A_70, %dma_start3A_73, %dma_start3A_74] : memref<2x5x128x32xf32, #tpu.memory_space<vmem>> -> memref<1x1x128x32xf32, #tpu.memory_space<vmem>>
    %dma_start3A_76 = tpu.memref_squeeze %dma_start3A_75 : memref<1x1x128x32xf32, #tpu.memory_space<vmem>> -> memref<128x32xf32, #tpu.memory_space<vmem>>
    %dma_start3A_77 = arith.constant 0 : i32
    %dma_start3A_78 = tpu.memref_slice %arg5[%dma_start3A_68, %dma_start3A_77] : memref<200x128xi32, #tpu.memory_space<vmem>> -> memref<1x128xi32, #tpu.memory_space<vmem>>
    %dma_start3A_79 = tpu.memref_squeeze %dma_start3A_78 : memref<1x128xi32, #tpu.memory_space<vmem>> -> memref<128xi32, #tpu.memory_space<vmem>>
    %dma_start3A_80 = arith.constant 0 : i32
    %dma_start3A_81 = arith.constant 0 : i32
    %dma_start3A_82 = tpu.memref_slice %arg2[%dma_start3A_80, %dma_start3A_81] : memref<1000000x32xf32, #tpu.memory_space<hbm>> -> memref<1000000x32xf32, #tpu.memory_space<hbm>>
    %dma_start3A_83 = tpu.memref_slice %arg7[%dma_start3A_71, %dma_start3A_72] : memref<2x5x!tpu.dma_semaphore, #tpu.memory_space<semaphore_mem>> -> memref<1x1x!tpu.dma_semaphore, #tpu.memory_space<semaphore_mem>>
    %dma_start3A_84 = tpu.memref_squeeze %dma_start3A_83 : memref<1x1x!tpu.dma_semaphore, #tpu.memory_space<semaphore_mem>> -> memref<!tpu.dma_semaphore, #tpu.memory_space<semaphore_mem>>
    tpu.enqueue_indirect_dma source(%dma_start3A_82 : memref<1000000x32xf32, #tpu.memory_space<hbm>>) target(%dma_start3A_76 : memref<128x32xf32, #tpu.memory_space<vmem>>) offsets(%dma_start3A_79 : memref<128xi32, #tpu.memory_space<vmem>>) semaphore(%dma_start3A_84 : memref<!tpu.dma_semaphore, #tpu.memory_space<semaphore_mem>>)
    %scan3A = arith.constant 0 : i32
    %scan3A_85 = arith.constant 0 : i32
    %scan3A_86 = arith.constant 20 : i32
    %scan3A_87 = arith.addi %scan3A_85, %scan3A_86 : i32
    %scan3A_88 = arith.constant 1 : i32
    scf.for %scan3A_289 = %scan3A_85 to %scan3A_87 step %scan3A_88  : i32 {
      %mul3A_290 = arith.constant 2 : i32
      %mul3A_291 = arith.muli %mul3A_290, %scan3A_289 : i32
      %add3A_292 = arith.constant 0 : i32
      %add3A_293 = arith.addi %mul3A_291, %add3A_292 : i32
      %mul3A_294 = arith.constant 5 : i32
      %mul3A_295 = arith.muli %add3A_293, %mul3A_294 : i32
      %add3A_296 = arith.constant 0 : i32
      %add3A_297 = arith.addi %mul3A_295, %add3A_296 : i32
      %dma_wait3A_298 = arith.constant 0 : i32
      %dma_wait3A_299 = arith.constant 0 : i32
      %dma_wait3A_300 = arith.constant 0 : i32
      %dma_wait3A_301 = arith.constant 0 : i32
      %dma_wait3A_302 = arith.constant 0 : i32
      %dma_wait3A_303 = arith.constant 0 : i32
      %dma_wait3A_304 = tpu.memref_slice %arg6[%dma_wait3A_298, %dma_wait3A_299, %dma_wait3A_302, %dma_wait3A_303] : memref<2x5x128x32xf32, #tpu.memory_space<vmem>> -> memref<1x1x128x32xf32, #tpu.memory_space<vmem>>
      %dma_wait3A_305 = tpu.memref_squeeze %dma_wait3A_304 : memref<1x1x128x32xf32, #tpu.memory_space<vmem>> -> memref<128x32xf32, #tpu.memory_space<vmem>>
      %dma_wait3A_306 = arith.constant 0 : i32
      %dma_wait3A_307 = arith.constant 0 : i32
      %dma_wait3A_308 = tpu.memref_slice %arg2[%dma_wait3A_306, %dma_wait3A_307] : memref<1000000x32xf32, #tpu.memory_space<hbm>> -> memref<128x32xf32, #tpu.memory_space<hbm>>
      %dma_wait3A_309 = tpu.memref_slice %arg7[%dma_wait3A_300, %dma_wait3A_301] : memref<2x5x!tpu.dma_semaphore, #tpu.memory_space<semaphore_mem>> -> memref<1x1x!tpu.dma_semaphore, #tpu.memory_space<semaphore_mem>>
      %dma_wait3A_310 = tpu.memref_squeeze %dma_wait3A_309 : memref<1x1x!tpu.dma_semaphore, #tpu.memory_space<semaphore_mem>> -> memref<!tpu.dma_semaphore, #tpu.memory_space<semaphore_mem>>
      %dma_wait3A_311 = arith.constant 0 : i32
      %dma_wait3A_312 = arith.constant 0 : i32
      %dma_wait3A_313 = tpu.memref_slice %arg6[%dma_wait3A_298, %dma_wait3A_299, %dma_wait3A_311, %dma_wait3A_312] : memref<2x5x128x32xf32, #tpu.memory_space<vmem>> -> memref<1x1x128x32xf32, #tpu.memory_space<vmem>>
      %dma_wait3A_314 = tpu.memref_squeeze %dma_wait3A_313 : memref<1x1x128x32xf32, #tpu.memory_space<vmem>> -> memref<128x32xf32, #tpu.memory_space<vmem>>
      %dma_wait3A_315 = arith.constant 0 : i32
      %dma_wait3A_316 = arith.constant 0 : i32
      %dma_wait3A_317 = tpu.memref_slice %arg2[%dma_wait3A_315, %dma_wait3A_316] : memref<1000000x32xf32, #tpu.memory_space<hbm>> -> memref<128x32xf32, #tpu.memory_space<hbm>>
      tpu.wait_dma2 semaphore(%dma_wait3A_310 : memref<!tpu.dma_semaphore, #tpu.memory_space<semaphore_mem>>) src(%dma_wait3A_317 : memref<128x32xf32, #tpu.memory_space<hbm>>) dst(%dma_wait3A_314 : memref<128x32xf32, #tpu.memory_space<vmem>>)
      %dma_start3A_318 = arith.constant 0 : i32
      %dma_start3A_319 = arith.constant 0 : i32
      %dma_start3A_320 = arith.constant 0 : i32
      %dma_start3A_321 = arith.constant 0 : i32
      %dma_start3A_322 = arith.constant 0 : i32
      %dma_start3A_323 = arith.constant 0 : i32
      %dma_start3A_324 = tpu.memref_slice %arg6[%dma_start3A_318, %dma_start3A_319, %dma_start3A_322, %dma_start3A_323] : memref<2x5x128x32xf32, #tpu.memory_space<vmem>> -> memref<1x1x128x32xf32, #tpu.memory_space<vmem>>
      %dma_start3A_325 = tpu.memref_squeeze %dma_start3A_324 : memref<1x1x128x32xf32, #tpu.memory_space<vmem>> -> memref<128x32xf32, #tpu.memory_space<vmem>>
      %dma_start3A_326 = arith.constant 0 : i32
      %dma_start3A_327 = arith.constant 0 : i32
      %dma_start3A_328 = tpu.memref_slice %arg4[%add3A, %add3A_297, %dma_start3A_326, %dma_start3A_327] : memref<32x200x128x32xf32, #tpu.memory_space<hbm>> -> memref<1x1x128x32xf32, #tpu.memory_space<hbm>>
      %dma_start3A_329 = tpu.memref_squeeze %dma_start3A_328 : memref<1x1x128x32xf32, #tpu.memory_space<hbm>> -> memref<128x32xf32, #tpu.memory_space<hbm>>
      %dma_start3A_330 = tpu.memref_slice %arg8[%dma_start3A_320, %dma_start3A_321] : memref<2x5x!tpu.dma_semaphore, #tpu.memory_space<semaphore_mem>> -> memref<1x1x!tpu.dma_semaphore, #tpu.memory_space<semaphore_mem>>
      %dma_start3A_331 = tpu.memref_squeeze %dma_start3A_330 : memref<1x1x!tpu.dma_semaphore, #tpu.memory_space<semaphore_mem>> -> memref<!tpu.dma_semaphore, #tpu.memory_space<semaphore_mem>>
      %dma_start3A_332 = arith.constant 0 : i32
      %dma_start3A_333 = arith.constant 0 : i32
      %dma_start3A_334 = tpu.memref_slice %arg4[%add3A, %add3A_297, %dma_start3A_332, %dma_start3A_333] : memref<32x200x128x32xf32, #tpu.memory_space<hbm>> -> memref<1x1x128x32xf32, #tpu.memory_space<hbm>>
      %dma_start3A_335 = tpu.memref_squeeze %dma_start3A_334 : memref<1x1x128x32xf32, #tpu.memory_space<hbm>> -> memref<128x32xf32, #tpu.memory_space<hbm>>
      %dma_start3A_336 = arith.constant 0 : i32
      %dma_start3A_337 = arith.constant 0 : i32
      %dma_start3A_338 = tpu.memref_slice %arg6[%dma_start3A_318, %dma_start3A_319, %dma_start3A_336, %dma_start3A_337] : memref<2x5x128x32xf32, #tpu.memory_space<vmem>> -> memref<1x1x128x32xf32, #tpu.memory_space<vmem>>
      %dma_start3A_339 = tpu.memref_squeeze %dma_start3A_338 : memref<1x1x128x32xf32, #tpu.memory_space<vmem>> -> memref<128x32xf32, #tpu.memory_space<vmem>>
      tpu.enqueue_dma source(%dma_start3A_339 : memref<128x32xf32, #tpu.memory_space<vmem>>) target(%dma_start3A_335 : memref<128x32xf32, #tpu.memory_space<hbm>>) target_semaphore(%dma_start3A_331 : memref<!tpu.dma_semaphore, #tpu.memory_space<semaphore_mem>>)
      %add3A_340 = arith.constant 5 : i32
      %add3A_341 = arith.addi %add3A_297, %add3A_340 : i32
      %lt3A = arith.constant 200 : i32
      %lt3A_342 = arith.cmpi slt, %add3A_341, %lt3A : i32
      %convert_element_type3A = arith.extui %lt3A_342 : i1 to i32
      %cond3A = arith.constant 0 : i32
      %cond3A_343 = arith.cmpi ne, %convert_element_type3A, %cond3A : i32
      scf.if %cond3A_343 {
        %gt3A = arith.constant 0 : i32
        %gt3A_825 = arith.cmpi sgt, %add3A_293, %gt3A : i32
        %convert_element_type3A_826 = arith.extui %gt3A_825 : i1 to i32
        %cond3A_827 = arith.constant 0 : i32
        %cond3A_828 = arith.cmpi ne, %convert_element_type3A_826, %cond3A_827 : i32
        scf.if %cond3A_828 {
          %dma_wait3A_845 = arith.constant 1 : i32
          %dma_wait3A_846 = arith.constant 0 : i32
          %dma_wait3A_847 = arith.constant 1 : i32
          %dma_wait3A_848 = arith.constant 0 : i32
          %dma_wait3A_849 = arith.constant 0 : i32
          %dma_wait3A_850 = arith.constant 0 : i32
          %dma_wait3A_851 = tpu.memref_slice %arg6[%dma_wait3A_845, %dma_wait3A_846, %dma_wait3A_849, %dma_wait3A_850] : memref<2x5x128x32xf32, #tpu.memory_space<vmem>> -> memref<1x1x128x32xf32, #tpu.memory_space<vmem>>
          %dma_wait3A_852 = tpu.memref_squeeze %dma_wait3A_851 : memref<1x1x128x32xf32, #tpu.memory_space<vmem>> -> memref<128x32xf32, #tpu.memory_space<vmem>>
          %dma_wait3A_853 = arith.constant 0 : i32
          %dma_wait3A_854 = arith.constant 0 : i32
          %dma_wait3A_855 = tpu.memref_slice %arg2[%dma_wait3A_853, %dma_wait3A_854] : memref<1000000x32xf32, #tpu.memory_space<hbm>> -> memref<128x32xf32, #tpu.memory_space<hbm>>
          %dma_wait3A_856 = tpu.memref_slice %arg8[%dma_wait3A_847, %dma_wait3A_848] : memref<2x5x!tpu.dma_semaphore, #tpu.memory_space<semaphore_mem>> -> memref<1x1x!tpu.dma_semaphore, #tpu.memory_space<semaphore_mem>>
          %dma_wait3A_857 = tpu.memref_squeeze %dma_wait3A_856 : memref<1x1x!tpu.dma_semaphore, #tpu.memory_space<semaphore_mem>> -> memref<!tpu.dma_semaphore, #tpu.memory_space<semaphore_mem>>
          %dma_wait3A_858 = arith.constant 0 : i32
          %dma_wait3A_859 = arith.constant 0 : i32
          %dma_wait3A_860 = tpu.memref_slice %arg6[%dma_wait3A_845, %dma_wait3A_846, %dma_wait3A_858, %dma_wait3A_859] : memref<2x5x128x32xf32, #tpu.memory_space<vmem>> -> memref<1x1x128x32xf32, #tpu.memory_space<vmem>>
          %dma_wait3A_861 = tpu.memref_squeeze %dma_wait3A_860 : memref<1x1x128x32xf32, #tpu.memory_space<vmem>> -> memref<128x32xf32, #tpu.memory_space<vmem>>
          %dma_wait3A_862 = arith.constant 0 : i32
          %dma_wait3A_863 = arith.constant 0 : i32
          %dma_wait3A_864 = tpu.memref_slice %arg2[%dma_wait3A_862, %dma_wait3A_863] : memref<1000000x32xf32, #tpu.memory_space<hbm>> -> memref<128x32xf32, #tpu.memory_space<hbm>>
          tpu.wait_dma2 semaphore(%dma_wait3A_857 : memref<!tpu.dma_semaphore, #tpu.memory_space<semaphore_mem>>) src(%dma_wait3A_864 : memref<128x32xf32, #tpu.memory_space<hbm>>) dst(%dma_wait3A_861 : memref<128x32xf32, #tpu.memory_space<vmem>>)
        } else {
        }
        %dma_start3A_829 = arith.constant 1 : i32
        %dma_start3A_830 = arith.constant 0 : i32
        %dma_start3A_831 = arith.constant 1 : i32
        %dma_start3A_832 = arith.constant 0 : i32
        %dma_start3A_833 = arith.constant 0 : i32
        %dma_start3A_834 = arith.constant 0 : i32
        %dma_start3A_835 = tpu.memref_slice %arg6[%dma_start3A_829, %dma_start3A_830, %dma_start3A_833, %dma_start3A_834] : memref<2x5x128x32xf32, #tpu.memory_space<vmem>> -> memref<1x1x128x32xf32, #tpu.memory_space<vmem>>
        %dma_start3A_836 = tpu.memref_squeeze %dma_start3A_835 : memref<1x1x128x32xf32, #tpu.memory_space<vmem>> -> memref<128x32xf32, #tpu.memory_space<vmem>>
        %dma_start3A_837 = arith.constant 0 : i32
        %dma_start3A_838 = tpu.memref_slice %arg5[%add3A_341, %dma_start3A_837] : memref<200x128xi32, #tpu.memory_space<vmem>> -> memref<1x128xi32, #tpu.memory_space<vmem>>
        %dma_start3A_839 = tpu.memref_squeeze %dma_start3A_838 : memref<1x128xi32, #tpu.memory_space<vmem>> -> memref<128xi32, #tpu.memory_space<vmem>>
        %dma_start3A_840 = arith.constant 0 : i32
        %dma_start3A_841 = arith.constant 0 : i32
        %dma_start3A_842 = tpu.memref_slice %arg2[%dma_start3A_840, %dma_start3A_841] : memref<1000000x32xf32, #tpu.memory_space<hbm>> -> memref<1000000x32xf32, #tpu.memory_space<hbm>>
        %dma_start3A_843 = tpu.memref_slice %arg7[%dma_start3A_831, %dma_start3A_832] : memref<2x5x!tpu.dma_semaphore, #tpu.memory_space<semaphore_mem>> -> memref<1x1x!tpu.dma_semaphore, #tpu.memory_space<semaphore_mem>>
        %dma_start3A_844 = tpu.memref_squeeze %dma_start3A_843 : memref<1x1x!tpu.dma_semaphore, #tpu.memory_space<semaphore_mem>> -> memref<!tpu.dma_semaphore, #tpu.memory_space<semaphore_mem>>
        tpu.enqueue_indirect_dma source(%dma_start3A_842 : memref<1000000x32xf32, #tpu.memory_space<hbm>>) target(%dma_start3A_836 : memref<128x32xf32, #tpu.memory_space<vmem>>) offsets(%dma_start3A_839 : memref<128xi32, #tpu.memory_space<vmem>>) semaphore(%dma_start3A_844 : memref<!tpu.dma_semaphore, #tpu.memory_space<semaphore_mem>>)
      } else {
      }
      %mul3A_344 = arith.constant 5 : i32
      %mul3A_345 = arith.muli %add3A_293, %mul3A_344 : i32
      %add3A_346 = arith.constant 1 : i32
      %add3A_347 = arith.addi %mul3A_345, %add3A_346 : i32
      %dma_wait3A_348 = arith.constant 0 : i32
      %dma_wait3A_349 = arith.constant 1 : i32
      %dma_wait3A_350 = arith.constant 0 : i32
      %dma_wait3A_351 = arith.constant 1 : i32
      %dma_wait3A_352 = arith.constant 0 : i32
      %dma_wait3A_353 = arith.constant 0 : i32
      %dma_wait3A_354 = tpu.memref_slice %arg6[%dma_wait3A_348, %dma_wait3A_349, %dma_wait3A_352, %dma_wait3A_353] : memref<2x5x128x32xf32, #tpu.memory_space<vmem>> -> memref<1x1x128x32xf32, #tpu.memory_space<vmem>>
      %dma_wait3A_355 = tpu.memref_squeeze %dma_wait3A_354 : memref<1x1x128x32xf32, #tpu.memory_space<vmem>> -> memref<128x32xf32, #tpu.memory_space<vmem>>
      %dma_wait3A_356 = arith.constant 0 : i32
      %dma_wait3A_357 = arith.constant 0 : i32
      %dma_wait3A_358 = tpu.memref_slice %arg2[%dma_wait3A_356, %dma_wait3A_357] : memref<1000000x32xf32, #tpu.memory_space<hbm>> -> memref<128x32xf32, #tpu.memory_space<hbm>>
      %dma_wait3A_359 = tpu.memref_slice %arg7[%dma_wait3A_350, %dma_wait3A_351] : memref<2x5x!tpu.dma_semaphore, #tpu.memory_space<semaphore_mem>> -> memref<1x1x!tpu.dma_semaphore, #tpu.memory_space<semaphore_mem>>
      %dma_wait3A_360 = tpu.memref_squeeze %dma_wait3A_359 : memref<1x1x!tpu.dma_semaphore, #tpu.memory_space<semaphore_mem>> -> memref<!tpu.dma_semaphore, #tpu.memory_space<semaphore_mem>>
      %dma_wait3A_361 = arith.constant 0 : i32
      %dma_wait3A_362 = arith.constant 0 : i32
      %dma_wait3A_363 = tpu.memref_slice %arg6[%dma_wait3A_348, %dma_wait3A_349, %dma_wait3A_361, %dma_wait3A_362] : memref<2x5x128x32xf32, #tpu.memory_space<vmem>> -> memref<1x1x128x32xf32, #tpu.memory_space<vmem>>
      %dma_wait3A_364 = tpu.memref_squeeze %dma_wait3A_363 : memref<1x1x128x32xf32, #tpu.memory_space<vmem>> -> memref<128x32xf32, #tpu.memory_space<vmem>>
      %dma_wait3A_365 = arith.constant 0 : i32
      %dma_wait3A_366 = arith.constant 0 : i32
      %dma_wait3A_367 = tpu.memref_slice %arg2[%dma_wait3A_365, %dma_wait3A_366] : memref<1000000x32xf32, #tpu.memory_space<hbm>> -> memref<128x32xf32, #tpu.memory_space<hbm>>
      tpu.wait_dma2 semaphore(%dma_wait3A_360 : memref<!tpu.dma_semaphore, #tpu.memory_space<semaphore_mem>>) src(%dma_wait3A_367 : memref<128x32xf32, #tpu.memory_space<hbm>>) dst(%dma_wait3A_364 : memref<128x32xf32, #tpu.memory_space<vmem>>)
      %dma_start3A_368 = arith.constant 0 : i32
      %dma_start3A_369 = arith.constant 1 : i32
      %dma_start3A_370 = arith.constant 0 : i32
      %dma_start3A_371 = arith.constant 1 : i32
      %dma_start3A_372 = arith.constant 0 : i32
      %dma_start3A_373 = arith.constant 0 : i32
      %dma_start3A_374 = tpu.memref_slice %arg6[%dma_start3A_368, %dma_start3A_369, %dma_start3A_372, %dma_start3A_373] : memref<2x5x128x32xf32, #tpu.memory_space<vmem>> -> memref<1x1x128x32xf32, #tpu.memory_space<vmem>>
      %dma_start3A_375 = tpu.memref_squeeze %dma_start3A_374 : memref<1x1x128x32xf32, #tpu.memory_space<vmem>> -> memref<128x32xf32, #tpu.memory_space<vmem>>
      %dma_start3A_376 = arith.constant 0 : i32
      %dma_start3A_377 = arith.constant 0 : i32
      %dma_start3A_378 = tpu.memref_slice %arg4[%add3A, %add3A_347, %dma_start3A_376, %dma_start3A_377] : memref<32x200x128x32xf32, #tpu.memory_space<hbm>> -> memref<1x1x128x32xf32, #tpu.memory_space<hbm>>
      %dma_start3A_379 = tpu.memref_squeeze %dma_start3A_378 : memref<1x1x128x32xf32, #tpu.memory_space<hbm>> -> memref<128x32xf32, #tpu.memory_space<hbm>>
      %dma_start3A_380 = tpu.memref_slice %arg8[%dma_start3A_370, %dma_start3A_371] : memref<2x5x!tpu.dma_semaphore, #tpu.memory_space<semaphore_mem>> -> memref<1x1x!tpu.dma_semaphore, #tpu.memory_space<semaphore_mem>>
      %dma_start3A_381 = tpu.memref_squeeze %dma_start3A_380 : memref<1x1x!tpu.dma_semaphore, #tpu.memory_space<semaphore_mem>> -> memref<!tpu.dma_semaphore, #tpu.memory_space<semaphore_mem>>
      %dma_start3A_382 = arith.constant 0 : i32
      %dma_start3A_383 = arith.constant 0 : i32
      %dma_start3A_384 = tpu.memref_slice %arg4[%add3A, %add3A_347, %dma_start3A_382, %dma_start3A_383] : memref<32x200x128x32xf32, #tpu.memory_space<hbm>> -> memref<1x1x128x32xf32, #tpu.memory_space<hbm>>
      %dma_start3A_385 = tpu.memref_squeeze %dma_start3A_384 : memref<1x1x128x32xf32, #tpu.memory_space<hbm>> -> memref<128x32xf32, #tpu.memory_space<hbm>>
      %dma_start3A_386 = arith.constant 0 : i32
      %dma_start3A_387 = arith.constant 0 : i32
      %dma_start3A_388 = tpu.memref_slice %arg6[%dma_start3A_368, %dma_start3A_369, %dma_start3A_386, %dma_start3A_387] : memref<2x5x128x32xf32, #tpu.memory_space<vmem>> -> memref<1x1x128x32xf32, #tpu.memory_space<vmem>>
      %dma_start3A_389 = tpu.memref_squeeze %dma_start3A_388 : memref<1x1x128x32xf32, #tpu.memory_space<vmem>> -> memref<128x32xf32, #tpu.memory_space<vmem>>
      tpu.enqueue_dma source(%dma_start3A_389 : memref<128x32xf32, #tpu.memory_space<vmem>>) target(%dma_start3A_385 : memref<128x32xf32, #tpu.memory_space<hbm>>) target_semaphore(%dma_start3A_381 : memref<!tpu.dma_semaphore, #tpu.memory_space<semaphore_mem>>)
      %add3A_390 = arith.constant 5 : i32
      %add3A_391 = arith.addi %add3A_347, %add3A_390 : i32
      %lt3A_392 = arith.constant 200 : i32
      %lt3A_393 = arith.cmpi slt, %add3A_391, %lt3A_392 : i32
      %convert_element_type3A_394 = arith.extui %lt3A_393 : i1 to i32
      %cond3A_395 = arith.constant 0 : i32
      %cond3A_396 = arith.cmpi ne, %convert_element_type3A_394, %cond3A_395 : i32
      scf.if %cond3A_396 {
        %gt3A = arith.constant 0 : i32
        %gt3A_825 = arith.cmpi sgt, %add3A_293, %gt3A : i32
        %convert_element_type3A_826 = arith.extui %gt3A_825 : i1 to i32
        %cond3A_827 = arith.constant 0 : i32
        %cond3A_828 = arith.cmpi ne, %convert_element_type3A_826, %cond3A_827 : i32
        scf.if %cond3A_828 {
          %dma_wait3A_845 = arith.constant 1 : i32
          %dma_wait3A_846 = arith.constant 1 : i32
          %dma_wait3A_847 = arith.constant 1 : i32
          %dma_wait3A_848 = arith.constant 1 : i32
          %dma_wait3A_849 = arith.constant 0 : i32
          %dma_wait3A_850 = arith.constant 0 : i32
          %dma_wait3A_851 = tpu.memref_slice %arg6[%dma_wait3A_845, %dma_wait3A_846, %dma_wait3A_849, %dma_wait3A_850] : memref<2x5x128x32xf32, #tpu.memory_space<vmem>> -> memref<1x1x128x32xf32, #tpu.memory_space<vmem>>
          %dma_wait3A_852 = tpu.memref_squeeze %dma_wait3A_851 : memref<1x1x128x32xf32, #tpu.memory_space<vmem>> -> memref<128x32xf32, #tpu.memory_space<vmem>>
          %dma_wait3A_853 = arith.constant 0 : i32
          %dma_wait3A_854 = arith.constant 0 : i32
          %dma_wait3A_855 = tpu.memref_slice %arg2[%dma_wait3A_853, %dma_wait3A_854] : memref<1000000x32xf32, #tpu.memory_space<hbm>> -> memref<128x32xf32, #tpu.memory_space<hbm>>
          %dma_wait3A_856 = tpu.memref_slice %arg8[%dma_wait3A_847, %dma_wait3A_848] : memref<2x5x!tpu.dma_semaphore, #tpu.memory_space<semaphore_mem>> -> memref<1x1x!tpu.dma_semaphore, #tpu.memory_space<semaphore_mem>>
          %dma_wait3A_857 = tpu.memref_squeeze %dma_wait3A_856 : memref<1x1x!tpu.dma_semaphore, #tpu.memory_space<semaphore_mem>> -> memref<!tpu.dma_semaphore, #tpu.memory_space<semaphore_mem>>
          %dma_wait3A_858 = arith.constant 0 : i32
          %dma_wait3A_859 = arith.constant 0 : i32
          %dma_wait3A_860 = tpu.memref_slice %arg6[%dma_wait3A_845, %dma_wait3A_846, %dma_wait3A_858, %dma_wait3A_859] : memref<2x5x128x32xf32, #tpu.memory_space<vmem>> -> memref<1x1x128x32xf32, #tpu.memory_space<vmem>>
          %dma_wait3A_861 = tpu.memref_squeeze %dma_wait3A_860 : memref<1x1x128x32xf32, #tpu.memory_space<vmem>> -> memref<128x32xf32, #tpu.memory_space<vmem>>
          %dma_wait3A_862 = arith.constant 0 : i32
          %dma_wait3A_863 = arith.constant 0 : i32
          %dma_wait3A_864 = tpu.memref_slice %arg2[%dma_wait3A_862, %dma_wait3A_863] : memref<1000000x32xf32, #tpu.memory_space<hbm>> -> memref<128x32xf32, #tpu.memory_space<hbm>>
          tpu.wait_dma2 semaphore(%dma_wait3A_857 : memref<!tpu.dma_semaphore, #tpu.memory_space<semaphore_mem>>) src(%dma_wait3A_864 : memref<128x32xf32, #tpu.memory_space<hbm>>) dst(%dma_wait3A_861 : memref<128x32xf32, #tpu.memory_space<vmem>>)
        } else {
        }
        %dma_start3A_829 = arith.constant 1 : i32
        %dma_start3A_830 = arith.constant 1 : i32
        %dma_start3A_831 = arith.constant 1 : i32
        %dma_start3A_832 = arith.constant 1 : i32
        %dma_start3A_833 = arith.constant 0 : i32
        %dma_start3A_834 = arith.constant 0 : i32
        %dma_start3A_835 = tpu.memref_slice %arg6[%dma_start3A_829, %dma_start3A_830, %dma_start3A_833, %dma_start3A_834] : memref<2x5x128x32xf32, #tpu.memory_space<vmem>> -> memref<1x1x128x32xf32, #tpu.memory_space<vmem>>
        %dma_start3A_836 = tpu.memref_squeeze %dma_start3A_835 : memref<1x1x128x32xf32, #tpu.memory_space<vmem>> -> memref<128x32xf32, #tpu.memory_space<vmem>>
        %dma_start3A_837 = arith.constant 0 : i32
        %dma_start3A_838 = tpu.memref_slice %arg5[%add3A_391, %dma_start3A_837] : memref<200x128xi32, #tpu.memory_space<vmem>> -> memref<1x128xi32, #tpu.memory_space<vmem>>
        %dma_start3A_839 = tpu.memref_squeeze %dma_start3A_838 : memref<1x128xi32, #tpu.memory_space<vmem>> -> memref<128xi32, #tpu.memory_space<vmem>>
        %dma_start3A_840 = arith.constant 0 : i32
        %dma_start3A_841 = arith.constant 0 : i32
        %dma_start3A_842 = tpu.memref_slice %arg2[%dma_start3A_840, %dma_start3A_841] : memref<1000000x32xf32, #tpu.memory_space<hbm>> -> memref<1000000x32xf32, #tpu.memory_space<hbm>>
        %dma_start3A_843 = tpu.memref_slice %arg7[%dma_start3A_831, %dma_start3A_832] : memref<2x5x!tpu.dma_semaphore, #tpu.memory_space<semaphore_mem>> -> memref<1x1x!tpu.dma_semaphore, #tpu.memory_space<semaphore_mem>>
        %dma_start3A_844 = tpu.memref_squeeze %dma_start3A_843 : memref<1x1x!tpu.dma_semaphore, #tpu.memory_space<semaphore_mem>> -> memref<!tpu.dma_semaphore, #tpu.memory_space<semaphore_mem>>
        tpu.enqueue_indirect_dma source(%dma_start3A_842 : memref<1000000x32xf32, #tpu.memory_space<hbm>>) target(%dma_start3A_836 : memref<128x32xf32, #tpu.memory_space<vmem>>) offsets(%dma_start3A_839 : memref<128xi32, #tpu.memory_space<vmem>>) semaphore(%dma_start3A_844 : memref<!tpu.dma_semaphore, #tpu.memory_space<semaphore_mem>>)
      } else {
      }
      %mul3A_397 = arith.constant 5 : i32
      %mul3A_398 = arith.muli %add3A_293, %mul3A_397 : i32
      %add3A_399 = arith.constant 2 : i32
      %add3A_400 = arith.addi %mul3A_398, %add3A_399 : i32
      %dma_wait3A_401 = arith.constant 0 : i32
      %dma_wait3A_402 = arith.constant 2 : i32
      %dma_wait3A_403 = arith.constant 0 : i32
      %dma_wait3A_404 = arith.constant 2 : i32
      %dma_wait3A_405 = arith.constant 0 : i32
      %dma_wait3A_406 = arith.constant 0 : i32
      %dma_wait3A_407 = tpu.memref_slice %arg6[%dma_wait3A_401, %dma_wait3A_402, %dma_wait3A_405, %dma_wait3A_406] : memref<2x5x128x32xf32, #tpu.memory_space<vmem>> -> memref<1x1x128x32xf32, #tpu.memory_space<vmem>>
      %dma_wait3A_408 = tpu.memref_squeeze %dma_wait3A_407 : memref<1x1x128x32xf32, #tpu.memory_space<vmem>> -> memref<128x32xf32, #tpu.memory_space<vmem>>
      %dma_wait3A_409 = arith.constant 0 : i32
      %dma_wait3A_410 = arith.constant 0 : i32
      %dma_wait3A_411 = tpu.memref_slice %arg2[%dma_wait3A_409, %dma_wait3A_410] : memref<1000000x32xf32, #tpu.memory_space<hbm>> -> memref<128x32xf32, #tpu.memory_space<hbm>>
      %dma_wait3A_412 = tpu.memref_slice %arg7[%dma_wait3A_403, %dma_wait3A_404] : memref<2x5x!tpu.dma_semaphore, #tpu.memory_space<semaphore_mem>> -> memref<1x1x!tpu.dma_semaphore, #tpu.memory_space<semaphore_mem>>
      %dma_wait3A_413 = tpu.memref_squeeze %dma_wait3A_412 : memref<1x1x!tpu.dma_semaphore, #tpu.memory_space<semaphore_mem>> -> memref<!tpu.dma_semaphore, #tpu.memory_space<semaphore_mem>>
      %dma_wait3A_414 = arith.constant 0 : i32
      %dma_wait3A_415 = arith.constant 0 : i32
      %dma_wait3A_416 = tpu.memref_slice %arg6[%dma_wait3A_401, %dma_wait3A_402, %dma_wait3A_414, %dma_wait3A_415] : memref<2x5x128x32xf32, #tpu.memory_space<vmem>> -> memref<1x1x128x32xf32, #tpu.memory_space<vmem>>
      %dma_wait3A_417 = tpu.memref_squeeze %dma_wait3A_416 : memref<1x1x128x32xf32, #tpu.memory_space<vmem>> -> memref<128x32xf32, #tpu.memory_space<vmem>>
      %dma_wait3A_418 = arith.constant 0 : i32
      %dma_wait3A_419 = arith.constant 0 : i32
      %dma_wait3A_420 = tpu.memref_slice %arg2[%dma_wait3A_418, %dma_wait3A_419] : memref<1000000x32xf32, #tpu.memory_space<hbm>> -> memref<128x32xf32, #tpu.memory_space<hbm>>
      tpu.wait_dma2 semaphore(%dma_wait3A_413 : memref<!tpu.dma_semaphore, #tpu.memory_space<semaphore_mem>>) src(%dma_wait3A_420 : memref<128x32xf32, #tpu.memory_space<hbm>>) dst(%dma_wait3A_417 : memref<128x32xf32, #tpu.memory_space<vmem>>)
      %dma_start3A_421 = arith.constant 0 : i32
      %dma_start3A_422 = arith.constant 2 : i32
      %dma_start3A_423 = arith.constant 0 : i32
      %dma_start3A_424 = arith.constant 2 : i32
      %dma_start3A_425 = arith.constant 0 : i32
      %dma_start3A_426 = arith.constant 0 : i32
      %dma_start3A_427 = tpu.memref_slice %arg6[%dma_start3A_421, %dma_start3A_422, %dma_start3A_425, %dma_start3A_426] : memref<2x5x128x32xf32, #tpu.memory_space<vmem>> -> memref<1x1x128x32xf32, #tpu.memory_space<vmem>>
      %dma_start3A_428 = tpu.memref_squeeze %dma_start3A_427 : memref<1x1x128x32xf32, #tpu.memory_space<vmem>> -> memref<128x32xf32, #tpu.memory_space<vmem>>
      %dma_start3A_429 = arith.constant 0 : i32
      %dma_start3A_430 = arith.constant 0 : i32
      %dma_start3A_431 = tpu.memref_slice %arg4[%add3A, %add3A_400, %dma_start3A_429, %dma_start3A_430] : memref<32x200x128x32xf32, #tpu.memory_space<hbm>> -> memref<1x1x128x32xf32, #tpu.memory_space<hbm>>
      %dma_start3A_432 = tpu.memref_squeeze %dma_start3A_431 : memref<1x1x128x32xf32, #tpu.memory_space<hbm>> -> memref<128x32xf32, #tpu.memory_space<hbm>>
      %dma_start3A_433 = tpu.memref_slice %arg8[%dma_start3A_423, %dma_start3A_424] : memref<2x5x!tpu.dma_semaphore, #tpu.memory_space<semaphore_mem>> -> memref<1x1x!tpu.dma_semaphore, #tpu.memory_space<semaphore_mem>>
      %dma_start3A_434 = tpu.memref_squeeze %dma_start3A_433 : memref<1x1x!tpu.dma_semaphore, #tpu.memory_space<semaphore_mem>> -> memref<!tpu.dma_semaphore, #tpu.memory_space<semaphore_mem>>
      %dma_start3A_435 = arith.constant 0 : i32
      %dma_start3A_436 = arith.constant 0 : i32
      %dma_start3A_437 = tpu.memref_slice %arg4[%add3A, %add3A_400, %dma_start3A_435, %dma_start3A_436] : memref<32x200x128x32xf32, #tpu.memory_space<hbm>> -> memref<1x1x128x32xf32, #tpu.memory_space<hbm>>
      %dma_start3A_438 = tpu.memref_squeeze %dma_start3A_437 : memref<1x1x128x32xf32, #tpu.memory_space<hbm>> -> memref<128x32xf32, #tpu.memory_space<hbm>>
      %dma_start3A_439 = arith.constant 0 : i32
      %dma_start3A_440 = arith.constant 0 : i32
      %dma_start3A_441 = tpu.memref_slice %arg6[%dma_start3A_421, %dma_start3A_422, %dma_start3A_439, %dma_start3A_440] : memref<2x5x128x32xf32, #tpu.memory_space<vmem>> -> memref<1x1x128x32xf32, #tpu.memory_space<vmem>>
      %dma_start3A_442 = tpu.memref_squeeze %dma_start3A_441 : memref<1x1x128x32xf32, #tpu.memory_space<vmem>> -> memref<128x32xf32, #tpu.memory_space<vmem>>
      tpu.enqueue_dma source(%dma_start3A_442 : memref<128x32xf32, #tpu.memory_space<vmem>>) target(%dma_start3A_438 : memref<128x32xf32, #tpu.memory_space<hbm>>) target_semaphore(%dma_start3A_434 : memref<!tpu.dma_semaphore, #tpu.memory_space<semaphore_mem>>)
      %add3A_443 = arith.constant 5 : i32
      %add3A_444 = arith.addi %add3A_400, %add3A_443 : i32
      %lt3A_445 = arith.constant 200 : i32
      %lt3A_446 = arith.cmpi slt, %add3A_444, %lt3A_445 : i32
      %convert_element_type3A_447 = arith.extui %lt3A_446 : i1 to i32
      %cond3A_448 = arith.constant 0 : i32
      %cond3A_449 = arith.cmpi ne, %convert_element_type3A_447, %cond3A_448 : i32
      scf.if %cond3A_449 {
        %gt3A = arith.constant 0 : i32
        %gt3A_825 = arith.cmpi sgt, %add3A_293, %gt3A : i32
        %convert_element_type3A_826 = arith.extui %gt3A_825 : i1 to i32
        %cond3A_827 = arith.constant 0 : i32
        %cond3A_828 = arith.cmpi ne, %convert_element_type3A_826, %cond3A_827 : i32
        scf.if %cond3A_828 {
          %dma_wait3A_845 = arith.constant 1 : i32
          %dma_wait3A_846 = arith.constant 2 : i32
          %dma_wait3A_847 = arith.constant 1 : i32
          %dma_wait3A_848 = arith.constant 2 : i32
          %dma_wait3A_849 = arith.constant 0 : i32
          %dma_wait3A_850 = arith.constant 0 : i32
          %dma_wait3A_851 = tpu.memref_slice %arg6[%dma_wait3A_845, %dma_wait3A_846, %dma_wait3A_849, %dma_wait3A_850] : memref<2x5x128x32xf32, #tpu.memory_space<vmem>> -> memref<1x1x128x32xf32, #tpu.memory_space<vmem>>
          %dma_wait3A_852 = tpu.memref_squeeze %dma_wait3A_851 : memref<1x1x128x32xf32, #tpu.memory_space<vmem>> -> memref<128x32xf32, #tpu.memory_space<vmem>>
          %dma_wait3A_853 = arith.constant 0 : i32
          %dma_wait3A_854 = arith.constant 0 : i32
          %dma_wait3A_855 = tpu.memref_slice %arg2[%dma_wait3A_853, %dma_wait3A_854] : memref<1000000x32xf32, #tpu.memory_space<hbm>> -> memref<128x32xf32, #tpu.memory_space<hbm>>
          %dma_wait3A_856 = tpu.memref_slice %arg8[%dma_wait3A_847, %dma_wait3A_848] : memref<2x5x!tpu.dma_semaphore, #tpu.memory_space<semaphore_mem>> -> memref<1x1x!tpu.dma_semaphore, #tpu.memory_space<semaphore_mem>>
          %dma_wait3A_857 = tpu.memref_squeeze %dma_wait3A_856 : memref<1x1x!tpu.dma_semaphore, #tpu.memory_space<semaphore_mem>> -> memref<!tpu.dma_semaphore, #tpu.memory_space<semaphore_mem>>
          %dma_wait3A_858 = arith.constant 0 : i32
          %dma_wait3A_859 = arith.constant 0 : i32
          %dma_wait3A_860 = tpu.memref_slice %arg6[%dma_wait3A_845, %dma_wait3A_846, %dma_wait3A_858, %dma_wait3A_859] : memref<2x5x128x32xf32, #tpu.memory_space<vmem>> -> memref<1x1x128x32xf32, #tpu.memory_space<vmem>>
          %dma_wait3A_861 = tpu.memref_squeeze %dma_wait3A_860 : memref<1x1x128x32xf32, #tpu.memory_space<vmem>> -> memref<128x32xf32, #tpu.memory_space<vmem>>
          %dma_wait3A_862 = arith.constant 0 : i32
          %dma_wait3A_863 = arith.constant 0 : i32
          %dma_wait3A_864 = tpu.memref_slice %arg2[%dma_wait3A_862, %dma_wait3A_863] : memref<1000000x32xf32, #tpu.memory_space<hbm>> -> memref<128x32xf32, #tpu.memory_space<hbm>>
          tpu.wait_dma2 semaphore(%dma_wait3A_857 : memref<!tpu.dma_semaphore, #tpu.memory_space<semaphore_mem>>) src(%dma_wait3A_864 : memref<128x32xf32, #tpu.memory_space<hbm>>) dst(%dma_wait3A_861 : memref<128x32xf32, #tpu.memory_space<vmem>>)
        } else {
        }
        %dma_start3A_829 = arith.constant 1 : i32
        %dma_start3A_830 = arith.constant 2 : i32
        %dma_start3A_831 = arith.constant 1 : i32
        %dma_start3A_832 = arith.constant 2 : i32
        %dma_start3A_833 = arith.constant 0 : i32
        %dma_start3A_834 = arith.constant 0 : i32
        %dma_start3A_835 = tpu.memref_slice %arg6[%dma_start3A_829, %dma_start3A_830, %dma_start3A_833, %dma_start3A_834] : memref<2x5x128x32xf32, #tpu.memory_space<vmem>> -> memref<1x1x128x32xf32, #tpu.memory_space<vmem>>
        %dma_start3A_836 = tpu.memref_squeeze %dma_start3A_835 : memref<1x1x128x32xf32, #tpu.memory_space<vmem>> -> memref<128x32xf32, #tpu.memory_space<vmem>>
        %dma_start3A_837 = arith.constant 0 : i32
        %dma_start3A_838 = tpu.memref_slice %arg5[%add3A_444, %dma_start3A_837] : memref<200x128xi32, #tpu.memory_space<vmem>> -> memref<1x128xi32, #tpu.memory_space<vmem>>
        %dma_start3A_839 = tpu.memref_squeeze %dma_start3A_838 : memref<1x128xi32, #tpu.memory_space<vmem>> -> memref<128xi32, #tpu.memory_space<vmem>>
        %dma_start3A_840 = arith.constant 0 : i32
        %dma_start3A_841 = arith.constant 0 : i32
        %dma_start3A_842 = tpu.memref_slice %arg2[%dma_start3A_840, %dma_start3A_841] : memref<1000000x32xf32, #tpu.memory_space<hbm>> -> memref<1000000x32xf32, #tpu.memory_space<hbm>>
        %dma_start3A_843 = tpu.memref_slice %arg7[%dma_start3A_831, %dma_start3A_832] : memref<2x5x!tpu.dma_semaphore, #tpu.memory_space<semaphore_mem>> -> memref<1x1x!tpu.dma_semaphore, #tpu.memory_space<semaphore_mem>>
        %dma_start3A_844 = tpu.memref_squeeze %dma_start3A_843 : memref<1x1x!tpu.dma_semaphore, #tpu.memory_space<semaphore_mem>> -> memref<!tpu.dma_semaphore, #tpu.memory_space<semaphore_mem>>
        tpu.enqueue_indirect_dma source(%dma_start3A_842 : memref<1000000x32xf32, #tpu.memory_space<hbm>>) target(%dma_start3A_836 : memref<128x32xf32, #tpu.memory_space<vmem>>) offsets(%dma_start3A_839 : memref<128xi32, #tpu.memory_space<vmem>>) semaphore(%dma_start3A_844 : memref<!tpu.dma_semaphore, #tpu.memory_space<semaphore_mem>>)
      } else {
      }
      %mul3A_450 = arith.constant 5 : i32
      %mul3A_451 = arith.muli %add3A_293, %mul3A_450 : i32
      %add3A_452 = arith.constant 3 : i32
      %add3A_453 = arith.addi %mul3A_451, %add3A_452 : i32
      %dma_wait3A_454 = arith.constant 0 : i32
      %dma_wait3A_455 = arith.constant 3 : i32
      %dma_wait3A_456 = arith.constant 0 : i32
      %dma_wait3A_457 = arith.constant 3 : i32
      %dma_wait3A_458 = arith.constant 0 : i32
      %dma_wait3A_459 = arith.constant 0 : i32
      %dma_wait3A_460 = tpu.memref_slice %arg6[%dma_wait3A_454, %dma_wait3A_455, %dma_wait3A_458, %dma_wait3A_459] : memref<2x5x128x32xf32, #tpu.memory_space<vmem>> -> memref<1x1x128x32xf32, #tpu.memory_space<vmem>>
      %dma_wait3A_461 = tpu.memref_squeeze %dma_wait3A_460 : memref<1x1x128x32xf32, #tpu.memory_space<vmem>> -> memref<128x32xf32, #tpu.memory_space<vmem>>
      %dma_wait3A_462 = arith.constant 0 : i32
      %dma_wait3A_463 = arith.constant 0 : i32
      %dma_wait3A_464 = tpu.memref_slice %arg2[%dma_wait3A_462, %dma_wait3A_463] : memref<1000000x32xf32, #tpu.memory_space<hbm>> -> memref<128x32xf32, #tpu.memory_space<hbm>>
      %dma_wait3A_465 = tpu.memref_slice %arg7[%dma_wait3A_456, %dma_wait3A_457] : memref<2x5x!tpu.dma_semaphore, #tpu.memory_space<semaphore_mem>> -> memref<1x1x!tpu.dma_semaphore, #tpu.memory_space<semaphore_mem>>
      %dma_wait3A_466 = tpu.memref_squeeze %dma_wait3A_465 : memref<1x1x!tpu.dma_semaphore, #tpu.memory_space<semaphore_mem>> -> memref<!tpu.dma_semaphore, #tpu.memory_space<semaphore_mem>>
      %dma_wait3A_467 = arith.constant 0 : i32
      %dma_wait3A_468 = arith.constant 0 : i32
      %dma_wait3A_469 = tpu.memref_slice %arg6[%dma_wait3A_454, %dma_wait3A_455, %dma_wait3A_467, %dma_wait3A_468] : memref<2x5x128x32xf32, #tpu.memory_space<vmem>> -> memref<1x1x128x32xf32, #tpu.memory_space<vmem>>
      %dma_wait3A_470 = tpu.memref_squeeze %dma_wait3A_469 : memref<1x1x128x32xf32, #tpu.memory_space<vmem>> -> memref<128x32xf32, #tpu.memory_space<vmem>>
      %dma_wait3A_471 = arith.constant 0 : i32
      %dma_wait3A_472 = arith.constant 0 : i32
      %dma_wait3A_473 = tpu.memref_slice %arg2[%dma_wait3A_471, %dma_wait3A_472] : memref<1000000x32xf32, #tpu.memory_space<hbm>> -> memref<128x32xf32, #tpu.memory_space<hbm>>
      tpu.wait_dma2 semaphore(%dma_wait3A_466 : memref<!tpu.dma_semaphore, #tpu.memory_space<semaphore_mem>>) src(%dma_wait3A_473 : memref<128x32xf32, #tpu.memory_space<hbm>>) dst(%dma_wait3A_470 : memref<128x32xf32, #tpu.memory_space<vmem>>)
      %dma_start3A_474 = arith.constant 0 : i32
      %dma_start3A_475 = arith.constant 3 : i32
      %dma_start3A_476 = arith.constant 0 : i32
      %dma_start3A_477 = arith.constant 3 : i32
      %dma_start3A_478 = arith.constant 0 : i32
      %dma_start3A_479 = arith.constant 0 : i32
      %dma_start3A_480 = tpu.memref_slice %arg6[%dma_start3A_474, %dma_start3A_475, %dma_start3A_478, %dma_start3A_479] : memref<2x5x128x32xf32, #tpu.memory_space<vmem>> -> memref<1x1x128x32xf32, #tpu.memory_space<vmem>>
      %dma_start3A_481 = tpu.memref_squeeze %dma_start3A_480 : memref<1x1x128x32xf32, #tpu.memory_space<vmem>> -> memref<128x32xf32, #tpu.memory_space<vmem>>
      %dma_start3A_482 = arith.constant 0 : i32
      %dma_start3A_483 = arith.constant 0 : i32
      %dma_start3A_484 = tpu.memref_slice %arg4[%add3A, %add3A_453, %dma_start3A_482, %dma_start3A_483] : memref<32x200x128x32xf32, #tpu.memory_space<hbm>> -> memref<1x1x128x32xf32, #tpu.memory_space<hbm>>
      %dma_start3A_485 = tpu.memref_squeeze %dma_start3A_484 : memref<1x1x128x32xf32, #tpu.memory_space<hbm>> -> memref<128x32xf32, #tpu.memory_space<hbm>>
      %dma_start3A_486 = tpu.memref_slice %arg8[%dma_start3A_476, %dma_start3A_477] : memref<2x5x!tpu.dma_semaphore, #tpu.memory_space<semaphore_mem>> -> memref<1x1x!tpu.dma_semaphore, #tpu.memory_space<semaphore_mem>>
      %dma_start3A_487 = tpu.memref_squeeze %dma_start3A_486 : memref<1x1x!tpu.dma_semaphore, #tpu.memory_space<semaphore_mem>> -> memref<!tpu.dma_semaphore, #tpu.memory_space<semaphore_mem>>
      %dma_start3A_488 = arith.constant 0 : i32
      %dma_start3A_489 = arith.constant 0 : i32
      %dma_start3A_490 = tpu.memref_slice %arg4[%add3A, %add3A_453, %dma_start3A_488, %dma_start3A_489] : memref<32x200x128x32xf32, #tpu.memory_space<hbm>> -> memref<1x1x128x32xf32, #tpu.memory_space<hbm>>
      %dma_start3A_491 = tpu.memref_squeeze %dma_start3A_490 : memref<1x1x128x32xf32, #tpu.memory_space<hbm>> -> memref<128x32xf32, #tpu.memory_space<hbm>>
      %dma_start3A_492 = arith.constant 0 : i32
      %dma_start3A_493 = arith.constant 0 : i32
      %dma_start3A_494 = tpu.memref_slice %arg6[%dma_start3A_474, %dma_start3A_475, %dma_start3A_492, %dma_start3A_493] : memref<2x5x128x32xf32, #tpu.memory_space<vmem>> -> memref<1x1x128x32xf32, #tpu.memory_space<vmem>>
      %dma_start3A_495 = tpu.memref_squeeze %dma_start3A_494 : memref<1x1x128x32xf32, #tpu.memory_space<vmem>> -> memref<128x32xf32, #tpu.memory_space<vmem>>
      tpu.enqueue_dma source(%dma_start3A_495 : memref<128x32xf32, #tpu.memory_space<vmem>>) target(%dma_start3A_491 : memref<128x32xf32, #tpu.memory_space<hbm>>) target_semaphore(%dma_start3A_487 : memref<!tpu.dma_semaphore, #tpu.memory_space<semaphore_mem>>)
      %add3A_496 = arith.constant 5 : i32
      %add3A_497 = arith.addi %add3A_453, %add3A_496 : i32
      %lt3A_498 = arith.constant 200 : i32
      %lt3A_499 = arith.cmpi slt, %add3A_497, %lt3A_498 : i32
      %convert_element_type3A_500 = arith.extui %lt3A_499 : i1 to i32
      %cond3A_501 = arith.constant 0 : i32
      %cond3A_502 = arith.cmpi ne, %convert_element_type3A_500, %cond3A_501 : i32
      scf.if %cond3A_502 {
        %gt3A = arith.constant 0 : i32
        %gt3A_825 = arith.cmpi sgt, %add3A_293, %gt3A : i32
        %convert_element_type3A_826 = arith.extui %gt3A_825 : i1 to i32
        %cond3A_827 = arith.constant 0 : i32
        %cond3A_828 = arith.cmpi ne, %convert_element_type3A_826, %cond3A_827 : i32
        scf.if %cond3A_828 {
          %dma_wait3A_845 = arith.constant 1 : i32
          %dma_wait3A_846 = arith.constant 3 : i32
          %dma_wait3A_847 = arith.constant 1 : i32
          %dma_wait3A_848 = arith.constant 3 : i32
          %dma_wait3A_849 = arith.constant 0 : i32
          %dma_wait3A_850 = arith.constant 0 : i32
          %dma_wait3A_851 = tpu.memref_slice %arg6[%dma_wait3A_845, %dma_wait3A_846, %dma_wait3A_849, %dma_wait3A_850] : memref<2x5x128x32xf32, #tpu.memory_space<vmem>> -> memref<1x1x128x32xf32, #tpu.memory_space<vmem>>
          %dma_wait3A_852 = tpu.memref_squeeze %dma_wait3A_851 : memref<1x1x128x32xf32, #tpu.memory_space<vmem>> -> memref<128x32xf32, #tpu.memory_space<vmem>>
          %dma_wait3A_853 = arith.constant 0 : i32
          %dma_wait3A_854 = arith.constant 0 : i32
          %dma_wait3A_855 = tpu.memref_slice %arg2[%dma_wait3A_853, %dma_wait3A_854] : memref<1000000x32xf32, #tpu.memory_space<hbm>> -> memref<128x32xf32, #tpu.memory_space<hbm>>
          %dma_wait3A_856 = tpu.memref_slice %arg8[%dma_wait3A_847, %dma_wait3A_848] : memref<2x5x!tpu.dma_semaphore, #tpu.memory_space<semaphore_mem>> -> memref<1x1x!tpu.dma_semaphore, #tpu.memory_space<semaphore_mem>>
          %dma_wait3A_857 = tpu.memref_squeeze %dma_wait3A_856 : memref<1x1x!tpu.dma_semaphore, #tpu.memory_space<semaphore_mem>> -> memref<!tpu.dma_semaphore, #tpu.memory_space<semaphore_mem>>
          %dma_wait3A_858 = arith.constant 0 : i32
          %dma_wait3A_859 = arith.constant 0 : i32
          %dma_wait3A_860 = tpu.memref_slice %arg6[%dma_wait3A_845, %dma_wait3A_846, %dma_wait3A_858, %dma_wait3A_859] : memref<2x5x128x32xf32, #tpu.memory_space<vmem>> -> memref<1x1x128x32xf32, #tpu.memory_space<vmem>>
          %dma_wait3A_861 = tpu.memref_squeeze %dma_wait3A_860 : memref<1x1x128x32xf32, #tpu.memory_space<vmem>> -> memref<128x32xf32, #tpu.memory_space<vmem>>
          %dma_wait3A_862 = arith.constant 0 : i32
          %dma_wait3A_863 = arith.constant 0 : i32
          %dma_wait3A_864 = tpu.memref_slice %arg2[%dma_wait3A_862, %dma_wait3A_863] : memref<1000000x32xf32, #tpu.memory_space<hbm>> -> memref<128x32xf32, #tpu.memory_space<hbm>>
          tpu.wait_dma2 semaphore(%dma_wait3A_857 : memref<!tpu.dma_semaphore, #tpu.memory_space<semaphore_mem>>) src(%dma_wait3A_864 : memref<128x32xf32, #tpu.memory_space<hbm>>) dst(%dma_wait3A_861 : memref<128x32xf32, #tpu.memory_space<vmem>>)
        } else {
        }
        %dma_start3A_829 = arith.constant 1 : i32
        %dma_start3A_830 = arith.constant 3 : i32
        %dma_start3A_831 = arith.constant 1 : i32
        %dma_start3A_832 = arith.constant 3 : i32
        %dma_start3A_833 = arith.constant 0 : i32
        %dma_start3A_834 = arith.constant 0 : i32
        %dma_start3A_835 = tpu.memref_slice %arg6[%dma_start3A_829, %dma_start3A_830, %dma_start3A_833, %dma_start3A_834] : memref<2x5x128x32xf32, #tpu.memory_space<vmem>> -> memref<1x1x128x32xf32, #tpu.memory_space<vmem>>
        %dma_start3A_836 = tpu.memref_squeeze %dma_start3A_835 : memref<1x1x128x32xf32, #tpu.memory_space<vmem>> -> memref<128x32xf32, #tpu.memory_space<vmem>>
        %dma_start3A_837 = arith.constant 0 : i32
        %dma_start3A_838 = tpu.memref_slice %arg5[%add3A_497, %dma_start3A_837] : memref<200x128xi32, #tpu.memory_space<vmem>> -> memref<1x128xi32, #tpu.memory_space<vmem>>
        %dma_start3A_839 = tpu.memref_squeeze %dma_start3A_838 : memref<1x128xi32, #tpu.memory_space<vmem>> -> memref<128xi32, #tpu.memory_space<vmem>>
        %dma_start3A_840 = arith.constant 0 : i32
        %dma_start3A_841 = arith.constant 0 : i32
        %dma_start3A_842 = tpu.memref_slice %arg2[%dma_start3A_840, %dma_start3A_841] : memref<1000000x32xf32, #tpu.memory_space<hbm>> -> memref<1000000x32xf32, #tpu.memory_space<hbm>>
        %dma_start3A_843 = tpu.memref_slice %arg7[%dma_start3A_831, %dma_start3A_832] : memref<2x5x!tpu.dma_semaphore, #tpu.memory_space<semaphore_mem>> -> memref<1x1x!tpu.dma_semaphore, #tpu.memory_space<semaphore_mem>>
        %dma_start3A_844 = tpu.memref_squeeze %dma_start3A_843 : memref<1x1x!tpu.dma_semaphore, #tpu.memory_space<semaphore_mem>> -> memref<!tpu.dma_semaphore, #tpu.memory_space<semaphore_mem>>
        tpu.enqueue_indirect_dma source(%dma_start3A_842 : memref<1000000x32xf32, #tpu.memory_space<hbm>>) target(%dma_start3A_836 : memref<128x32xf32, #tpu.memory_space<vmem>>) offsets(%dma_start3A_839 : memref<128xi32, #tpu.memory_space<vmem>>) semaphore(%dma_start3A_844 : memref<!tpu.dma_semaphore, #tpu.memory_space<semaphore_mem>>)
      } else {
      }
      %mul3A_503 = arith.constant 5 : i32
      %mul3A_504 = arith.muli %add3A_293, %mul3A_503 : i32
      %add3A_505 = arith.constant 4 : i32
      %add3A_506 = arith.addi %mul3A_504, %add3A_505 : i32
      %dma_wait3A_507 = arith.constant 0 : i32
      %dma_wait3A_508 = arith.constant 4 : i32
      %dma_wait3A_509 = arith.constant 0 : i32
      %dma_wait3A_510 = arith.constant 4 : i32
      %dma_wait3A_511 = arith.constant 0 : i32
      %dma_wait3A_512 = arith.constant 0 : i32
      %dma_wait3A_513 = tpu.memref_slice %arg6[%dma_wait3A_507, %dma_wait3A_508, %dma_wait3A_511, %dma_wait3A_512] : memref<2x5x128x32xf32, #tpu.memory_space<vmem>> -> memref<1x1x128x32xf32, #tpu.memory_space<vmem>>
      %dma_wait3A_514 = tpu.memref_squeeze %dma_wait3A_513 : memref<1x1x128x32xf32, #tpu.memory_space<vmem>> -> memref<128x32xf32, #tpu.memory_space<vmem>>
      %dma_wait3A_515 = arith.constant 0 : i32
      %dma_wait3A_516 = arith.constant 0 : i32
      %dma_wait3A_517 = tpu.memref_slice %arg2[%dma_wait3A_515, %dma_wait3A_516] : memref<1000000x32xf32, #tpu.memory_space<hbm>> -> memref<128x32xf32, #tpu.memory_space<hbm>>
      %dma_wait3A_518 = tpu.memref_slice %arg7[%dma_wait3A_509, %dma_wait3A_510] : memref<2x5x!tpu.dma_semaphore, #tpu.memory_space<semaphore_mem>> -> memref<1x1x!tpu.dma_semaphore, #tpu.memory_space<semaphore_mem>>
      %dma_wait3A_519 = tpu.memref_squeeze %dma_wait3A_518 : memref<1x1x!tpu.dma_semaphore, #tpu.memory_space<semaphore_mem>> -> memref<!tpu.dma_semaphore, #tpu.memory_space<semaphore_mem>>
      %dma_wait3A_520 = arith.constant 0 : i32
      %dma_wait3A_521 = arith.constant 0 : i32
      %dma_wait3A_522 = tpu.memref_slice %arg6[%dma_wait3A_507, %dma_wait3A_508, %dma_wait3A_520, %dma_wait3A_521] : memref<2x5x128x32xf32, #tpu.memory_space<vmem>> -> memref<1x1x128x32xf32, #tpu.memory_space<vmem>>
      %dma_wait3A_523 = tpu.memref_squeeze %dma_wait3A_522 : memref<1x1x128x32xf32, #tpu.memory_space<vmem>> -> memref<128x32xf32, #tpu.memory_space<vmem>>
      %dma_wait3A_524 = arith.constant 0 : i32
      %dma_wait3A_525 = arith.constant 0 : i32
      %dma_wait3A_526 = tpu.memref_slice %arg2[%dma_wait3A_524, %dma_wait3A_525] : memref<1000000x32xf32, #tpu.memory_space<hbm>> -> memref<128x32xf32, #tpu.memory_space<hbm>>
      tpu.wait_dma2 semaphore(%dma_wait3A_519 : memref<!tpu.dma_semaphore, #tpu.memory_space<semaphore_mem>>) src(%dma_wait3A_526 : memref<128x32xf32, #tpu.memory_space<hbm>>) dst(%dma_wait3A_523 : memref<128x32xf32, #tpu.memory_space<vmem>>)
      %dma_start3A_527 = arith.constant 0 : i32
      %dma_start3A_528 = arith.constant 4 : i32
      %dma_start3A_529 = arith.constant 0 : i32
      %dma_start3A_530 = arith.constant 4 : i32
      %dma_start3A_531 = arith.constant 0 : i32
      %dma_start3A_532 = arith.constant 0 : i32
      %dma_start3A_533 = tpu.memref_slice %arg6[%dma_start3A_527, %dma_start3A_528, %dma_start3A_531, %dma_start3A_532] : memref<2x5x128x32xf32, #tpu.memory_space<vmem>> -> memref<1x1x128x32xf32, #tpu.memory_space<vmem>>
      %dma_start3A_534 = tpu.memref_squeeze %dma_start3A_533 : memref<1x1x128x32xf32, #tpu.memory_space<vmem>> -> memref<128x32xf32, #tpu.memory_space<vmem>>
      %dma_start3A_535 = arith.constant 0 : i32
      %dma_start3A_536 = arith.constant 0 : i32
      %dma_start3A_537 = tpu.memref_slice %arg4[%add3A, %add3A_506, %dma_start3A_535, %dma_start3A_536] : memref<32x200x128x32xf32, #tpu.memory_space<hbm>> -> memref<1x1x128x32xf32, #tpu.memory_space<hbm>>
      %dma_start3A_538 = tpu.memref_squeeze %dma_start3A_537 : memref<1x1x128x32xf32, #tpu.memory_space<hbm>> -> memref<128x32xf32, #tpu.memory_space<hbm>>
      %dma_start3A_539 = tpu.memref_slice %arg8[%dma_start3A_529, %dma_start3A_530] : memref<2x5x!tpu.dma_semaphore, #tpu.memory_space<semaphore_mem>> -> memref<1x1x!tpu.dma_semaphore, #tpu.memory_space<semaphore_mem>>
      %dma_start3A_540 = tpu.memref_squeeze %dma_start3A_539 : memref<1x1x!tpu.dma_semaphore, #tpu.memory_space<semaphore_mem>> -> memref<!tpu.dma_semaphore, #tpu.memory_space<semaphore_mem>>
      %dma_start3A_541 = arith.constant 0 : i32
      %dma_start3A_542 = arith.constant 0 : i32
      %dma_start3A_543 = tpu.memref_slice %arg4[%add3A, %add3A_506, %dma_start3A_541, %dma_start3A_542] : memref<32x200x128x32xf32, #tpu.memory_space<hbm>> -> memref<1x1x128x32xf32, #tpu.memory_space<hbm>>
      %dma_start3A_544 = tpu.memref_squeeze %dma_start3A_543 : memref<1x1x128x32xf32, #tpu.memory_space<hbm>> -> memref<128x32xf32, #tpu.memory_space<hbm>>
      %dma_start3A_545 = arith.constant 0 : i32
      %dma_start3A_546 = arith.constant 0 : i32
      %dma_start3A_547 = tpu.memref_slice %arg6[%dma_start3A_527, %dma_start3A_528, %dma_start3A_545, %dma_start3A_546] : memref<2x5x128x32xf32, #tpu.memory_space<vmem>> -> memref<1x1x128x32xf32, #tpu.memory_space<vmem>>
      %dma_start3A_548 = tpu.memref_squeeze %dma_start3A_547 : memref<1x1x128x32xf32, #tpu.memory_space<vmem>> -> memref<128x32xf32, #tpu.memory_space<vmem>>
      tpu.enqueue_dma source(%dma_start3A_548 : memref<128x32xf32, #tpu.memory_space<vmem>>) target(%dma_start3A_544 : memref<128x32xf32, #tpu.memory_space<hbm>>) target_semaphore(%dma_start3A_540 : memref<!tpu.dma_semaphore, #tpu.memory_space<semaphore_mem>>)
      %add3A_549 = arith.constant 5 : i32
      %add3A_550 = arith.addi %add3A_506, %add3A_549 : i32
      %lt3A_551 = arith.constant 200 : i32
      %lt3A_552 = arith.cmpi slt, %add3A_550, %lt3A_551 : i32
      %convert_element_type3A_553 = arith.extui %lt3A_552 : i1 to i32
      %cond3A_554 = arith.constant 0 : i32
      %cond3A_555 = arith.cmpi ne, %convert_element_type3A_553, %cond3A_554 : i32
      scf.if %cond3A_555 {
        %gt3A = arith.constant 0 : i32
        %gt3A_825 = arith.cmpi sgt, %add3A_293, %gt3A : i32
        %convert_element_type3A_826 = arith.extui %gt3A_825 : i1 to i32
        %cond3A_827 = arith.constant 0 : i32
        %cond3A_828 = arith.cmpi ne, %convert_element_type3A_826, %cond3A_827 : i32
        scf.if %cond3A_828 {
          %dma_wait3A_845 = arith.constant 1 : i32
          %dma_wait3A_846 = arith.constant 4 : i32
          %dma_wait3A_847 = arith.constant 1 : i32
          %dma_wait3A_848 = arith.constant 4 : i32
          %dma_wait3A_849 = arith.constant 0 : i32
          %dma_wait3A_850 = arith.constant 0 : i32
          %dma_wait3A_851 = tpu.memref_slice %arg6[%dma_wait3A_845, %dma_wait3A_846, %dma_wait3A_849, %dma_wait3A_850] : memref<2x5x128x32xf32, #tpu.memory_space<vmem>> -> memref<1x1x128x32xf32, #tpu.memory_space<vmem>>
          %dma_wait3A_852 = tpu.memref_squeeze %dma_wait3A_851 : memref<1x1x128x32xf32, #tpu.memory_space<vmem>> -> memref<128x32xf32, #tpu.memory_space<vmem>>
          %dma_wait3A_853 = arith.constant 0 : i32
          %dma_wait3A_854 = arith.constant 0 : i32
          %dma_wait3A_855 = tpu.memref_slice %arg2[%dma_wait3A_853, %dma_wait3A_854] : memref<1000000x32xf32, #tpu.memory_space<hbm>> -> memref<128x32xf32, #tpu.memory_space<hbm>>
          %dma_wait3A_856 = tpu.memref_slice %arg8[%dma_wait3A_847, %dma_wait3A_848] : memref<2x5x!tpu.dma_semaphore, #tpu.memory_space<semaphore_mem>> -> memref<1x1x!tpu.dma_semaphore, #tpu.memory_space<semaphore_mem>>
          %dma_wait3A_857 = tpu.memref_squeeze %dma_wait3A_856 : memref<1x1x!tpu.dma_semaphore, #tpu.memory_space<semaphore_mem>> -> memref<!tpu.dma_semaphore, #tpu.memory_space<semaphore_mem>>
          %dma_wait3A_858 = arith.constant 0 : i32
          %dma_wait3A_859 = arith.constant 0 : i32
          %dma_wait3A_860 = tpu.memref_slice %arg6[%dma_wait3A_845, %dma_wait3A_846, %dma_wait3A_858, %dma_wait3A_859] : memref<2x5x128x32xf32, #tpu.memory_space<vmem>> -> memref<1x1x128x32xf32, #tpu.memory_space<vmem>>
          %dma_wait3A_861 = tpu.memref_squeeze %dma_wait3A_860 : memref<1x1x128x32xf32, #tpu.memory_space<vmem>> -> memref<128x32xf32, #tpu.memory_space<vmem>>
          %dma_wait3A_862 = arith.constant 0 : i32
          %dma_wait3A_863 = arith.constant 0 : i32
          %dma_wait3A_864 = tpu.memref_slice %arg2[%dma_wait3A_862, %dma_wait3A_863] : memref<1000000x32xf32, #tpu.memory_space<hbm>> -> memref<128x32xf32, #tpu.memory_space<hbm>>
          tpu.wait_dma2 semaphore(%dma_wait3A_857 : memref<!tpu.dma_semaphore, #tpu.memory_space<semaphore_mem>>) src(%dma_wait3A_864 : memref<128x32xf32, #tpu.memory_space<hbm>>) dst(%dma_wait3A_861 : memref<128x32xf32, #tpu.memory_space<vmem>>)
        } else {
        }
        %dma_start3A_829 = arith.constant 1 : i32
        %dma_start3A_830 = arith.constant 4 : i32
        %dma_start3A_831 = arith.constant 1 : i32
        %dma_start3A_832 = arith.constant 4 : i32
        %dma_start3A_833 = arith.constant 0 : i32
        %dma_start3A_834 = arith.constant 0 : i32
        %dma_start3A_835 = tpu.memref_slice %arg6[%dma_start3A_829, %dma_start3A_830, %dma_start3A_833, %dma_start3A_834] : memref<2x5x128x32xf32, #tpu.memory_space<vmem>> -> memref<1x1x128x32xf32, #tpu.memory_space<vmem>>
        %dma_start3A_836 = tpu.memref_squeeze %dma_start3A_835 : memref<1x1x128x32xf32, #tpu.memory_space<vmem>> -> memref<128x32xf32, #tpu.memory_space<vmem>>
        %dma_start3A_837 = arith.constant 0 : i32
        %dma_start3A_838 = tpu.memref_slice %arg5[%add3A_550, %dma_start3A_837] : memref<200x128xi32, #tpu.memory_space<vmem>> -> memref<1x128xi32, #tpu.memory_space<vmem>>
        %dma_start3A_839 = tpu.memref_squeeze %dma_start3A_838 : memref<1x128xi32, #tpu.memory_space<vmem>> -> memref<128xi32, #tpu.memory_space<vmem>>
        %dma_start3A_840 = arith.constant 0 : i32
        %dma_start3A_841 = arith.constant 0 : i32
        %dma_start3A_842 = tpu.memref_slice %arg2[%dma_start3A_840, %dma_start3A_841] : memref<1000000x32xf32, #tpu.memory_space<hbm>> -> memref<1000000x32xf32, #tpu.memory_space<hbm>>
        %dma_start3A_843 = tpu.memref_slice %arg7[%dma_start3A_831, %dma_start3A_832] : memref<2x5x!tpu.dma_semaphore, #tpu.memory_space<semaphore_mem>> -> memref<1x1x!tpu.dma_semaphore, #tpu.memory_space<semaphore_mem>>
        %dma_start3A_844 = tpu.memref_squeeze %dma_start3A_843 : memref<1x1x!tpu.dma_semaphore, #tpu.memory_space<semaphore_mem>> -> memref<!tpu.dma_semaphore, #tpu.memory_space<semaphore_mem>>
        tpu.enqueue_indirect_dma source(%dma_start3A_842 : memref<1000000x32xf32, #tpu.memory_space<hbm>>) target(%dma_start3A_836 : memref<128x32xf32, #tpu.memory_space<vmem>>) offsets(%dma_start3A_839 : memref<128xi32, #tpu.memory_space<vmem>>) semaphore(%dma_start3A_844 : memref<!tpu.dma_semaphore, #tpu.memory_space<semaphore_mem>>)
      } else {
      }
      %mul3A_556 = arith.constant 2 : i32
      %mul3A_557 = arith.muli %mul3A_556, %scan3A_289 : i32
      %add3A_558 = arith.constant 1 : i32
      %add3A_559 = arith.addi %mul3A_557, %add3A_558 : i32
      %mul3A_560 = arith.constant 5 : i32
      %mul3A_561 = arith.muli %add3A_559, %mul3A_560 : i32
      %add3A_562 = arith.constant 0 : i32
      %add3A_563 = arith.addi %mul3A_561, %add3A_562 : i32
      %dma_wait3A_564 = arith.constant 1 : i32
      %dma_wait3A_565 = arith.constant 0 : i32
      %dma_wait3A_566 = arith.constant 1 : i32
      %dma_wait3A_567 = arith.constant 0 : i32
      %dma_wait3A_568 = arith.constant 0 : i32
      %dma_wait3A_569 = arith.constant 0 : i32
      %dma_wait3A_570 = tpu.memref_slice %arg6[%dma_wait3A_564, %dma_wait3A_565, %dma_wait3A_568, %dma_wait3A_569] : memref<2x5x128x32xf32, #tpu.memory_space<vmem>> -> memref<1x1x128x32xf32, #tpu.memory_space<vmem>>
      %dma_wait3A_571 = tpu.memref_squeeze %dma_wait3A_570 : memref<1x1x128x32xf32, #tpu.memory_space<vmem>> -> memref<128x32xf32, #tpu.memory_space<vmem>>
      %dma_wait3A_572 = arith.constant 0 : i32
      %dma_wait3A_573 = arith.constant 0 : i32
      %dma_wait3A_574 = tpu.memref_slice %arg2[%dma_wait3A_572, %dma_wait3A_573] : memref<1000000x32xf32, #tpu.memory_space<hbm>> -> memref<128x32xf32, #tpu.memory_space<hbm>>
      %dma_wait3A_575 = tpu.memref_slice %arg7[%dma_wait3A_566, %dma_wait3A_567] : memref<2x5x!tpu.dma_semaphore, #tpu.memory_space<semaphore_mem>> -> memref<1x1x!tpu.dma_semaphore, #tpu.memory_space<semaphore_mem>>
      %dma_wait3A_576 = tpu.memref_squeeze %dma_wait3A_575 : memref<1x1x!tpu.dma_semaphore, #tpu.memory_space<semaphore_mem>> -> memref<!tpu.dma_semaphore, #tpu.memory_space<semaphore_mem>>
      %dma_wait3A_577 = arith.constant 0 : i32
      %dma_wait3A_578 = arith.constant 0 : i32
      %dma_wait3A_579 = tpu.memref_slice %arg6[%dma_wait3A_564, %dma_wait3A_565, %dma_wait3A_577, %dma_wait3A_578] : memref<2x5x128x32xf32, #tpu.memory_space<vmem>> -> memref<1x1x128x32xf32, #tpu.memory_space<vmem>>
      %dma_wait3A_580 = tpu.memref_squeeze %dma_wait3A_579 : memref<1x1x128x32xf32, #tpu.memory_space<vmem>> -> memref<128x32xf32, #tpu.memory_space<vmem>>
      %dma_wait3A_581 = arith.constant 0 : i32
      %dma_wait3A_582 = arith.constant 0 : i32
      %dma_wait3A_583 = tpu.memref_slice %arg2[%dma_wait3A_581, %dma_wait3A_582] : memref<1000000x32xf32, #tpu.memory_space<hbm>> -> memref<128x32xf32, #tpu.memory_space<hbm>>
      tpu.wait_dma2 semaphore(%dma_wait3A_576 : memref<!tpu.dma_semaphore, #tpu.memory_space<semaphore_mem>>) src(%dma_wait3A_583 : memref<128x32xf32, #tpu.memory_space<hbm>>) dst(%dma_wait3A_580 : memref<128x32xf32, #tpu.memory_space<vmem>>)
      %dma_start3A_584 = arith.constant 1 : i32
      %dma_start3A_585 = arith.constant 0 : i32
      %dma_start3A_586 = arith.constant 1 : i32
      %dma_start3A_587 = arith.constant 0 : i32
      %dma_start3A_588 = arith.constant 0 : i32
      %dma_start3A_589 = arith.constant 0 : i32
      %dma_start3A_590 = tpu.memref_slice %arg6[%dma_start3A_584, %dma_start3A_585, %dma_start3A_588, %dma_start3A_589] : memref<2x5x128x32xf32, #tpu.memory_space<vmem>> -> memref<1x1x128x32xf32, #tpu.memory_space<vmem>>
      %dma_start3A_591 = tpu.memref_squeeze %dma_start3A_590 : memref<1x1x128x32xf32, #tpu.memory_space<vmem>> -> memref<128x32xf32, #tpu.memory_space<vmem>>
      %dma_start3A_592 = arith.constant 0 : i32
      %dma_start3A_593 = arith.constant 0 : i32
      %dma_start3A_594 = tpu.memref_slice %arg4[%add3A, %add3A_563, %dma_start3A_592, %dma_start3A_593] : memref<32x200x128x32xf32, #tpu.memory_space<hbm>> -> memref<1x1x128x32xf32, #tpu.memory_space<hbm>>
      %dma_start3A_595 = tpu.memref_squeeze %dma_start3A_594 : memref<1x1x128x32xf32, #tpu.memory_space<hbm>> -> memref<128x32xf32, #tpu.memory_space<hbm>>
      %dma_start3A_596 = tpu.memref_slice %arg8[%dma_start3A_586, %dma_start3A_587] : memref<2x5x!tpu.dma_semaphore, #tpu.memory_space<semaphore_mem>> -> memref<1x1x!tpu.dma_semaphore, #tpu.memory_space<semaphore_mem>>
      %dma_start3A_597 = tpu.memref_squeeze %dma_start3A_596 : memref<1x1x!tpu.dma_semaphore, #tpu.memory_space<semaphore_mem>> -> memref<!tpu.dma_semaphore, #tpu.memory_space<semaphore_mem>>
      %dma_start3A_598 = arith.constant 0 : i32
      %dma_start3A_599 = arith.constant 0 : i32
      %dma_start3A_600 = tpu.memref_slice %arg4[%add3A, %add3A_563, %dma_start3A_598, %dma_start3A_599] : memref<32x200x128x32xf32, #tpu.memory_space<hbm>> -> memref<1x1x128x32xf32, #tpu.memory_space<hbm>>
      %dma_start3A_601 = tpu.memref_squeeze %dma_start3A_600 : memref<1x1x128x32xf32, #tpu.memory_space<hbm>> -> memref<128x32xf32, #tpu.memory_space<hbm>>
      %dma_start3A_602 = arith.constant 0 : i32
      %dma_start3A_603 = arith.constant 0 : i32
      %dma_start3A_604 = tpu.memref_slice %arg6[%dma_start3A_584, %dma_start3A_585, %dma_start3A_602, %dma_start3A_603] : memref<2x5x128x32xf32, #tpu.memory_space<vmem>> -> memref<1x1x128x32xf32, #tpu.memory_space<vmem>>
      %dma_start3A_605 = tpu.memref_squeeze %dma_start3A_604 : memref<1x1x128x32xf32, #tpu.memory_space<vmem>> -> memref<128x32xf32, #tpu.memory_space<vmem>>
      tpu.enqueue_dma source(%dma_start3A_605 : memref<128x32xf32, #tpu.memory_space<vmem>>) target(%dma_start3A_601 : memref<128x32xf32, #tpu.memory_space<hbm>>) target_semaphore(%dma_start3A_597 : memref<!tpu.dma_semaphore, #tpu.memory_space<semaphore_mem>>)
      %add3A_606 = arith.constant 5 : i32
      %add3A_607 = arith.addi %add3A_563, %add3A_606 : i32
      %lt3A_608 = arith.constant 200 : i32
      %lt3A_609 = arith.cmpi slt, %add3A_607, %lt3A_608 : i32
      %convert_element_type3A_610 = arith.extui %lt3A_609 : i1 to i32
      %cond3A_611 = arith.constant 0 : i32
      %cond3A_612 = arith.cmpi ne, %convert_element_type3A_610, %cond3A_611 : i32
      scf.if %cond3A_612 {
        %gt3A = arith.constant 0 : i32
        %gt3A_825 = arith.cmpi sgt, %add3A_559, %gt3A : i32
        %convert_element_type3A_826 = arith.extui %gt3A_825 : i1 to i32
        %cond3A_827 = arith.constant 0 : i32
        %cond3A_828 = arith.cmpi ne, %convert_element_type3A_826, %cond3A_827 : i32
        scf.if %cond3A_828 {
          %dma_wait3A_845 = arith.constant 0 : i32
          %dma_wait3A_846 = arith.constant 0 : i32
          %dma_wait3A_847 = arith.constant 0 : i32
          %dma_wait3A_848 = arith.constant 0 : i32
          %dma_wait3A_849 = arith.constant 0 : i32
          %dma_wait3A_850 = arith.constant 0 : i32
          %dma_wait3A_851 = tpu.memref_slice %arg6[%dma_wait3A_845, %dma_wait3A_846, %dma_wait3A_849, %dma_wait3A_850] : memref<2x5x128x32xf32, #tpu.memory_space<vmem>> -> memref<1x1x128x32xf32, #tpu.memory_space<vmem>>
          %dma_wait3A_852 = tpu.memref_squeeze %dma_wait3A_851 : memref<1x1x128x32xf32, #tpu.memory_space<vmem>> -> memref<128x32xf32, #tpu.memory_space<vmem>>
          %dma_wait3A_853 = arith.constant 0 : i32
          %dma_wait3A_854 = arith.constant 0 : i32
          %dma_wait3A_855 = tpu.memref_slice %arg2[%dma_wait3A_853, %dma_wait3A_854] : memref<1000000x32xf32, #tpu.memory_space<hbm>> -> memref<128x32xf32, #tpu.memory_space<hbm>>
          %dma_wait3A_856 = tpu.memref_slice %arg8[%dma_wait3A_847, %dma_wait3A_848] : memref<2x5x!tpu.dma_semaphore, #tpu.memory_space<semaphore_mem>> -> memref<1x1x!tpu.dma_semaphore, #tpu.memory_space<semaphore_mem>>
          %dma_wait3A_857 = tpu.memref_squeeze %dma_wait3A_856 : memref<1x1x!tpu.dma_semaphore, #tpu.memory_space<semaphore_mem>> -> memref<!tpu.dma_semaphore, #tpu.memory_space<semaphore_mem>>
          %dma_wait3A_858 = arith.constant 0 : i32
          %dma_wait3A_859 = arith.constant 0 : i32
          %dma_wait3A_860 = tpu.memref_slice %arg6[%dma_wait3A_845, %dma_wait3A_846, %dma_wait3A_858, %dma_wait3A_859] : memref<2x5x128x32xf32, #tpu.memory_space<vmem>> -> memref<1x1x128x32xf32, #tpu.memory_space<vmem>>
          %dma_wait3A_861 = tpu.memref_squeeze %dma_wait3A_860 : memref<1x1x128x32xf32, #tpu.memory_space<vmem>> -> memref<128x32xf32, #tpu.memory_space<vmem>>
          %dma_wait3A_862 = arith.constant 0 : i32
          %dma_wait3A_863 = arith.constant 0 : i32
          %dma_wait3A_864 = tpu.memref_slice %arg2[%dma_wait3A_862, %dma_wait3A_863] : memref<1000000x32xf32, #tpu.memory_space<hbm>> -> memref<128x32xf32, #tpu.memory_space<hbm>>
          tpu.wait_dma2 semaphore(%dma_wait3A_857 : memref<!tpu.dma_semaphore, #tpu.memory_space<semaphore_mem>>) src(%dma_wait3A_864 : memref<128x32xf32, #tpu.memory_space<hbm>>) dst(%dma_wait3A_861 : memref<128x32xf32, #tpu.memory_space<vmem>>)
        } else {
        }
        %dma_start3A_829 = arith.constant 0 : i32
        %dma_start3A_830 = arith.constant 0 : i32
        %dma_start3A_831 = arith.constant 0 : i32
        %dma_start3A_832 = arith.constant 0 : i32
        %dma_start3A_833 = arith.constant 0 : i32
        %dma_start3A_834 = arith.constant 0 : i32
        %dma_start3A_835 = tpu.memref_slice %arg6[%dma_start3A_829, %dma_start3A_830, %dma_start3A_833, %dma_start3A_834] : memref<2x5x128x32xf32, #tpu.memory_space<vmem>> -> memref<1x1x128x32xf32, #tpu.memory_space<vmem>>
        %dma_start3A_836 = tpu.memref_squeeze %dma_start3A_835 : memref<1x1x128x32xf32, #tpu.memory_space<vmem>> -> memref<128x32xf32, #tpu.memory_space<vmem>>
        %dma_start3A_837 = arith.constant 0 : i32
        %dma_start3A_838 = tpu.memref_slice %arg5[%add3A_607, %dma_start3A_837] : memref<200x128xi32, #tpu.memory_space<vmem>> -> memref<1x128xi32, #tpu.memory_space<vmem>>
        %dma_start3A_839 = tpu.memref_squeeze %dma_start3A_838 : memref<1x128xi32, #tpu.memory_space<vmem>> -> memref<128xi32, #tpu.memory_space<vmem>>
        %dma_start3A_840 = arith.constant 0 : i32
        %dma_start3A_841 = arith.constant 0 : i32
        %dma_start3A_842 = tpu.memref_slice %arg2[%dma_start3A_840, %dma_start3A_841] : memref<1000000x32xf32, #tpu.memory_space<hbm>> -> memref<1000000x32xf32, #tpu.memory_space<hbm>>
        %dma_start3A_843 = tpu.memref_slice %arg7[%dma_start3A_831, %dma_start3A_832] : memref<2x5x!tpu.dma_semaphore, #tpu.memory_space<semaphore_mem>> -> memref<1x1x!tpu.dma_semaphore, #tpu.memory_space<semaphore_mem>>
        %dma_start3A_844 = tpu.memref_squeeze %dma_start3A_843 : memref<1x1x!tpu.dma_semaphore, #tpu.memory_space<semaphore_mem>> -> memref<!tpu.dma_semaphore, #tpu.memory_space<semaphore_mem>>
        tpu.enqueue_indirect_dma source(%dma_start3A_842 : memref<1000000x32xf32, #tpu.memory_space<hbm>>) target(%dma_start3A_836 : memref<128x32xf32, #tpu.memory_space<vmem>>) offsets(%dma_start3A_839 : memref<128xi32, #tpu.memory_space<vmem>>) semaphore(%dma_start3A_844 : memref<!tpu.dma_semaphore, #tpu.memory_space<semaphore_mem>>)
      } else {
      }
      %mul3A_613 = arith.constant 5 : i32
      %mul3A_614 = arith.muli %add3A_559, %mul3A_613 : i32
      %add3A_615 = arith.constant 1 : i32
      %add3A_616 = arith.addi %mul3A_614, %add3A_615 : i32
      %dma_wait3A_617 = arith.constant 1 : i32
      %dma_wait3A_618 = arith.constant 1 : i32
      %dma_wait3A_619 = arith.constant 1 : i32
      %dma_wait3A_620 = arith.constant 1 : i32
      %dma_wait3A_621 = arith.constant 0 : i32
      %dma_wait3A_622 = arith.constant 0 : i32
      %dma_wait3A_623 = tpu.memref_slice %arg6[%dma_wait3A_617, %dma_wait3A_618, %dma_wait3A_621, %dma_wait3A_622] : memref<2x5x128x32xf32, #tpu.memory_space<vmem>> -> memref<1x1x128x32xf32, #tpu.memory_space<vmem>>
      %dma_wait3A_624 = tpu.memref_squeeze %dma_wait3A_623 : memref<1x1x128x32xf32, #tpu.memory_space<vmem>> -> memref<128x32xf32, #tpu.memory_space<vmem>>
      %dma_wait3A_625 = arith.constant 0 : i32
      %dma_wait3A_626 = arith.constant 0 : i32
      %dma_wait3A_627 = tpu.memref_slice %arg2[%dma_wait3A_625, %dma_wait3A_626] : memref<1000000x32xf32, #tpu.memory_space<hbm>> -> memref<128x32xf32, #tpu.memory_space<hbm>>
      %dma_wait3A_628 = tpu.memref_slice %arg7[%dma_wait3A_619, %dma_wait3A_620] : memref<2x5x!tpu.dma_semaphore, #tpu.memory_space<semaphore_mem>> -> memref<1x1x!tpu.dma_semaphore, #tpu.memory_space<semaphore_mem>>
      %dma_wait3A_629 = tpu.memref_squeeze %dma_wait3A_628 : memref<1x1x!tpu.dma_semaphore, #tpu.memory_space<semaphore_mem>> -> memref<!tpu.dma_semaphore, #tpu.memory_space<semaphore_mem>>
      %dma_wait3A_630 = arith.constant 0 : i32
      %dma_wait3A_631 = arith.constant 0 : i32
      %dma_wait3A_632 = tpu.memref_slice %arg6[%dma_wait3A_617, %dma_wait3A_618, %dma_wait3A_630, %dma_wait3A_631] : memref<2x5x128x32xf32, #tpu.memory_space<vmem>> -> memref<1x1x128x32xf32, #tpu.memory_space<vmem>>
      %dma_wait3A_633 = tpu.memref_squeeze %dma_wait3A_632 : memref<1x1x128x32xf32, #tpu.memory_space<vmem>> -> memref<128x32xf32, #tpu.memory_space<vmem>>
      %dma_wait3A_634 = arith.constant 0 : i32
      %dma_wait3A_635 = arith.constant 0 : i32
      %dma_wait3A_636 = tpu.memref_slice %arg2[%dma_wait3A_634, %dma_wait3A_635] : memref<1000000x32xf32, #tpu.memory_space<hbm>> -> memref<128x32xf32, #tpu.memory_space<hbm>>
      tpu.wait_dma2 semaphore(%dma_wait3A_629 : memref<!tpu.dma_semaphore, #tpu.memory_space<semaphore_mem>>) src(%dma_wait3A_636 : memref<128x32xf32, #tpu.memory_space<hbm>>) dst(%dma_wait3A_633 : memref<128x32xf32, #tpu.memory_space<vmem>>)
      %dma_start3A_637 = arith.constant 1 : i32
      %dma_start3A_638 = arith.constant 1 : i32
      %dma_start3A_639 = arith.constant 1 : i32
      %dma_start3A_640 = arith.constant 1 : i32
      %dma_start3A_641 = arith.constant 0 : i32
      %dma_start3A_642 = arith.constant 0 : i32
      %dma_start3A_643 = tpu.memref_slice %arg6[%dma_start3A_637, %dma_start3A_638, %dma_start3A_641, %dma_start3A_642] : memref<2x5x128x32xf32, #tpu.memory_space<vmem>> -> memref<1x1x128x32xf32, #tpu.memory_space<vmem>>
      %dma_start3A_644 = tpu.memref_squeeze %dma_start3A_643 : memref<1x1x128x32xf32, #tpu.memory_space<vmem>> -> memref<128x32xf32, #tpu.memory_space<vmem>>
      %dma_start3A_645 = arith.constant 0 : i32
      %dma_start3A_646 = arith.constant 0 : i32
      %dma_start3A_647 = tpu.memref_slice %arg4[%add3A, %add3A_616, %dma_start3A_645, %dma_start3A_646] : memref<32x200x128x32xf32, #tpu.memory_space<hbm>> -> memref<1x1x128x32xf32, #tpu.memory_space<hbm>>
      %dma_start3A_648 = tpu.memref_squeeze %dma_start3A_647 : memref<1x1x128x32xf32, #tpu.memory_space<hbm>> -> memref<128x32xf32, #tpu.memory_space<hbm>>
      %dma_start3A_649 = tpu.memref_slice %arg8[%dma_start3A_639, %dma_start3A_640] : memref<2x5x!tpu.dma_semaphore, #tpu.memory_space<semaphore_mem>> -> memref<1x1x!tpu.dma_semaphore, #tpu.memory_space<semaphore_mem>>
      %dma_start3A_650 = tpu.memref_squeeze %dma_start3A_649 : memref<1x1x!tpu.dma_semaphore, #tpu.memory_space<semaphore_mem>> -> memref<!tpu.dma_semaphore, #tpu.memory_space<semaphore_mem>>
      %dma_start3A_651 = arith.constant 0 : i32
      %dma_start3A_652 = arith.constant 0 : i32
      %dma_start3A_653 = tpu.memref_slice %arg4[%add3A, %add3A_616, %dma_start3A_651, %dma_start3A_652] : memref<32x200x128x32xf32, #tpu.memory_space<hbm>> -> memref<1x1x128x32xf32, #tpu.memory_space<hbm>>
      %dma_start3A_654 = tpu.memref_squeeze %dma_start3A_653 : memref<1x1x128x32xf32, #tpu.memory_space<hbm>> -> memref<128x32xf32, #tpu.memory_space<hbm>>
      %dma_start3A_655 = arith.constant 0 : i32
      %dma_start3A_656 = arith.constant 0 : i32
      %dma_start3A_657 = tpu.memref_slice %arg6[%dma_start3A_637, %dma_start3A_638, %dma_start3A_655, %dma_start3A_656] : memref<2x5x128x32xf32, #tpu.memory_space<vmem>> -> memref<1x1x128x32xf32, #tpu.memory_space<vmem>>
      %dma_start3A_658 = tpu.memref_squeeze %dma_start3A_657 : memref<1x1x128x32xf32, #tpu.memory_space<vmem>> -> memref<128x32xf32, #tpu.memory_space<vmem>>
      tpu.enqueue_dma source(%dma_start3A_658 : memref<128x32xf32, #tpu.memory_space<vmem>>) target(%dma_start3A_654 : memref<128x32xf32, #tpu.memory_space<hbm>>) target_semaphore(%dma_start3A_650 : memref<!tpu.dma_semaphore, #tpu.memory_space<semaphore_mem>>)
      %add3A_659 = arith.constant 5 : i32
      %add3A_660 = arith.addi %add3A_616, %add3A_659 : i32
      %lt3A_661 = arith.constant 200 : i32
      %lt3A_662 = arith.cmpi slt, %add3A_660, %lt3A_661 : i32
      %convert_element_type3A_663 = arith.extui %lt3A_662 : i1 to i32
      %cond3A_664 = arith.constant 0 : i32
      %cond3A_665 = arith.cmpi ne, %convert_element_type3A_663, %cond3A_664 : i32
      scf.if %cond3A_665 {
        %gt3A = arith.constant 0 : i32
        %gt3A_825 = arith.cmpi sgt, %add3A_559, %gt3A : i32
        %convert_element_type3A_826 = arith.extui %gt3A_825 : i1 to i32
        %cond3A_827 = arith.constant 0 : i32
        %cond3A_828 = arith.cmpi ne, %convert_element_type3A_826, %cond3A_827 : i32
        scf.if %cond3A_828 {
          %dma_wait3A_845 = arith.constant 0 : i32
          %dma_wait3A_846 = arith.constant 1 : i32
          %dma_wait3A_847 = arith.constant 0 : i32
          %dma_wait3A_848 = arith.constant 1 : i32
          %dma_wait3A_849 = arith.constant 0 : i32
          %dma_wait3A_850 = arith.constant 0 : i32
          %dma_wait3A_851 = tpu.memref_slice %arg6[%dma_wait3A_845, %dma_wait3A_846, %dma_wait3A_849, %dma_wait3A_850] : memref<2x5x128x32xf32, #tpu.memory_space<vmem>> -> memref<1x1x128x32xf32, #tpu.memory_space<vmem>>
          %dma_wait3A_852 = tpu.memref_squeeze %dma_wait3A_851 : memref<1x1x128x32xf32, #tpu.memory_space<vmem>> -> memref<128x32xf32, #tpu.memory_space<vmem>>
          %dma_wait3A_853 = arith.constant 0 : i32
          %dma_wait3A_854 = arith.constant 0 : i32
          %dma_wait3A_855 = tpu.memref_slice %arg2[%dma_wait3A_853, %dma_wait3A_854] : memref<1000000x32xf32, #tpu.memory_space<hbm>> -> memref<128x32xf32, #tpu.memory_space<hbm>>
          %dma_wait3A_856 = tpu.memref_slice %arg8[%dma_wait3A_847, %dma_wait3A_848] : memref<2x5x!tpu.dma_semaphore, #tpu.memory_space<semaphore_mem>> -> memref<1x1x!tpu.dma_semaphore, #tpu.memory_space<semaphore_mem>>
          %dma_wait3A_857 = tpu.memref_squeeze %dma_wait3A_856 : memref<1x1x!tpu.dma_semaphore, #tpu.memory_space<semaphore_mem>> -> memref<!tpu.dma_semaphore, #tpu.memory_space<semaphore_mem>>
          %dma_wait3A_858 = arith.constant 0 : i32
          %dma_wait3A_859 = arith.constant 0 : i32
          %dma_wait3A_860 = tpu.memref_slice %arg6[%dma_wait3A_845, %dma_wait3A_846, %dma_wait3A_858, %dma_wait3A_859] : memref<2x5x128x32xf32, #tpu.memory_space<vmem>> -> memref<1x1x128x32xf32, #tpu.memory_space<vmem>>
          %dma_wait3A_861 = tpu.memref_squeeze %dma_wait3A_860 : memref<1x1x128x32xf32, #tpu.memory_space<vmem>> -> memref<128x32xf32, #tpu.memory_space<vmem>>
          %dma_wait3A_862 = arith.constant 0 : i32
          %dma_wait3A_863 = arith.constant 0 : i32
          %dma_wait3A_864 = tpu.memref_slice %arg2[%dma_wait3A_862, %dma_wait3A_863] : memref<1000000x32xf32, #tpu.memory_space<hbm>> -> memref<128x32xf32, #tpu.memory_space<hbm>>
          tpu.wait_dma2 semaphore(%dma_wait3A_857 : memref<!tpu.dma_semaphore, #tpu.memory_space<semaphore_mem>>) src(%dma_wait3A_864 : memref<128x32xf32, #tpu.memory_space<hbm>>) dst(%dma_wait3A_861 : memref<128x32xf32, #tpu.memory_space<vmem>>)
        } else {
        }
        %dma_start3A_829 = arith.constant 0 : i32
        %dma_start3A_830 = arith.constant 1 : i32
        %dma_start3A_831 = arith.constant 0 : i32
        %dma_start3A_832 = arith.constant 1 : i32
        %dma_start3A_833 = arith.constant 0 : i32
        %dma_start3A_834 = arith.constant 0 : i32
        %dma_start3A_835 = tpu.memref_slice %arg6[%dma_start3A_829, %dma_start3A_830, %dma_start3A_833, %dma_start3A_834] : memref<2x5x128x32xf32, #tpu.memory_space<vmem>> -> memref<1x1x128x32xf32, #tpu.memory_space<vmem>>
        %dma_start3A_836 = tpu.memref_squeeze %dma_start3A_835 : memref<1x1x128x32xf32, #tpu.memory_space<vmem>> -> memref<128x32xf32, #tpu.memory_space<vmem>>
        %dma_start3A_837 = arith.constant 0 : i32
        %dma_start3A_838 = tpu.memref_slice %arg5[%add3A_660, %dma_start3A_837] : memref<200x128xi32, #tpu.memory_space<vmem>> -> memref<1x128xi32, #tpu.memory_space<vmem>>
        %dma_start3A_839 = tpu.memref_squeeze %dma_start3A_838 : memref<1x128xi32, #tpu.memory_space<vmem>> -> memref<128xi32, #tpu.memory_space<vmem>>
        %dma_start3A_840 = arith.constant 0 : i32
        %dma_start3A_841 = arith.constant 0 : i32
        %dma_start3A_842 = tpu.memref_slice %arg2[%dma_start3A_840, %dma_start3A_841] : memref<1000000x32xf32, #tpu.memory_space<hbm>> -> memref<1000000x32xf32, #tpu.memory_space<hbm>>
        %dma_start3A_843 = tpu.memref_slice %arg7[%dma_start3A_831, %dma_start3A_832] : memref<2x5x!tpu.dma_semaphore, #tpu.memory_space<semaphore_mem>> -> memref<1x1x!tpu.dma_semaphore, #tpu.memory_space<semaphore_mem>>
        %dma_start3A_844 = tpu.memref_squeeze %dma_start3A_843 : memref<1x1x!tpu.dma_semaphore, #tpu.memory_space<semaphore_mem>> -> memref<!tpu.dma_semaphore, #tpu.memory_space<semaphore_mem>>
        tpu.enqueue_indirect_dma source(%dma_start3A_842 : memref<1000000x32xf32, #tpu.memory_space<hbm>>) target(%dma_start3A_836 : memref<128x32xf32, #tpu.memory_space<vmem>>) offsets(%dma_start3A_839 : memref<128xi32, #tpu.memory_space<vmem>>) semaphore(%dma_start3A_844 : memref<!tpu.dma_semaphore, #tpu.memory_space<semaphore_mem>>)
      } else {
      }
      %mul3A_666 = arith.constant 5 : i32
      %mul3A_667 = arith.muli %add3A_559, %mul3A_666 : i32
      %add3A_668 = arith.constant 2 : i32
      %add3A_669 = arith.addi %mul3A_667, %add3A_668 : i32
      %dma_wait3A_670 = arith.constant 1 : i32
      %dma_wait3A_671 = arith.constant 2 : i32
      %dma_wait3A_672 = arith.constant 1 : i32
      %dma_wait3A_673 = arith.constant 2 : i32
      %dma_wait3A_674 = arith.constant 0 : i32
      %dma_wait3A_675 = arith.constant 0 : i32
      %dma_wait3A_676 = tpu.memref_slice %arg6[%dma_wait3A_670, %dma_wait3A_671, %dma_wait3A_674, %dma_wait3A_675] : memref<2x5x128x32xf32, #tpu.memory_space<vmem>> -> memref<1x1x128x32xf32, #tpu.memory_space<vmem>>
      %dma_wait3A_677 = tpu.memref_squeeze %dma_wait3A_676 : memref<1x1x128x32xf32, #tpu.memory_space<vmem>> -> memref<128x32xf32, #tpu.memory_space<vmem>>
      %dma_wait3A_678 = arith.constant 0 : i32
      %dma_wait3A_679 = arith.constant 0 : i32
      %dma_wait3A_680 = tpu.memref_slice %arg2[%dma_wait3A_678, %dma_wait3A_679] : memref<1000000x32xf32, #tpu.memory_space<hbm>> -> memref<128x32xf32, #tpu.memory_space<hbm>>
      %dma_wait3A_681 = tpu.memref_slice %arg7[%dma_wait3A_672, %dma_wait3A_673] : memref<2x5x!tpu.dma_semaphore, #tpu.memory_space<semaphore_mem>> -> memref<1x1x!tpu.dma_semaphore, #tpu.memory_space<semaphore_mem>>
      %dma_wait3A_682 = tpu.memref_squeeze %dma_wait3A_681 : memref<1x1x!tpu.dma_semaphore, #tpu.memory_space<semaphore_mem>> -> memref<!tpu.dma_semaphore, #tpu.memory_space<semaphore_mem>>
      %dma_wait3A_683 = arith.constant 0 : i32
      %dma_wait3A_684 = arith.constant 0 : i32
      %dma_wait3A_685 = tpu.memref_slice %arg6[%dma_wait3A_670, %dma_wait3A_671, %dma_wait3A_683, %dma_wait3A_684] : memref<2x5x128x32xf32, #tpu.memory_space<vmem>> -> memref<1x1x128x32xf32, #tpu.memory_space<vmem>>
      %dma_wait3A_686 = tpu.memref_squeeze %dma_wait3A_685 : memref<1x1x128x32xf32, #tpu.memory_space<vmem>> -> memref<128x32xf32, #tpu.memory_space<vmem>>
      %dma_wait3A_687 = arith.constant 0 : i32
      %dma_wait3A_688 = arith.constant 0 : i32
      %dma_wait3A_689 = tpu.memref_slice %arg2[%dma_wait3A_687, %dma_wait3A_688] : memref<1000000x32xf32, #tpu.memory_space<hbm>> -> memref<128x32xf32, #tpu.memory_space<hbm>>
      tpu.wait_dma2 semaphore(%dma_wait3A_682 : memref<!tpu.dma_semaphore, #tpu.memory_space<semaphore_mem>>) src(%dma_wait3A_689 : memref<128x32xf32, #tpu.memory_space<hbm>>) dst(%dma_wait3A_686 : memref<128x32xf32, #tpu.memory_space<vmem>>)
      %dma_start3A_690 = arith.constant 1 : i32
      %dma_start3A_691 = arith.constant 2 : i32
      %dma_start3A_692 = arith.constant 1 : i32
      %dma_start3A_693 = arith.constant 2 : i32
      %dma_start3A_694 = arith.constant 0 : i32
      %dma_start3A_695 = arith.constant 0 : i32
      %dma_start3A_696 = tpu.memref_slice %arg6[%dma_start3A_690, %dma_start3A_691, %dma_start3A_694, %dma_start3A_695] : memref<2x5x128x32xf32, #tpu.memory_space<vmem>> -> memref<1x1x128x32xf32, #tpu.memory_space<vmem>>
      %dma_start3A_697 = tpu.memref_squeeze %dma_start3A_696 : memref<1x1x128x32xf32, #tpu.memory_space<vmem>> -> memref<128x32xf32, #tpu.memory_space<vmem>>
      %dma_start3A_698 = arith.constant 0 : i32
      %dma_start3A_699 = arith.constant 0 : i32
      %dma_start3A_700 = tpu.memref_slice %arg4[%add3A, %add3A_669, %dma_start3A_698, %dma_start3A_699] : memref<32x200x128x32xf32, #tpu.memory_space<hbm>> -> memref<1x1x128x32xf32, #tpu.memory_space<hbm>>
      %dma_start3A_701 = tpu.memref_squeeze %dma_start3A_700 : memref<1x1x128x32xf32, #tpu.memory_space<hbm>> -> memref<128x32xf32, #tpu.memory_space<hbm>>
      %dma_start3A_702 = tpu.memref_slice %arg8[%dma_start3A_692, %dma_start3A_693] : memref<2x5x!tpu.dma_semaphore, #tpu.memory_space<semaphore_mem>> -> memref<1x1x!tpu.dma_semaphore, #tpu.memory_space<semaphore_mem>>
      %dma_start3A_703 = tpu.memref_squeeze %dma_start3A_702 : memref<1x1x!tpu.dma_semaphore, #tpu.memory_space<semaphore_mem>> -> memref<!tpu.dma_semaphore, #tpu.memory_space<semaphore_mem>>
      %dma_start3A_704 = arith.constant 0 : i32
      %dma_start3A_705 = arith.constant 0 : i32
      %dma_start3A_706 = tpu.memref_slice %arg4[%add3A, %add3A_669, %dma_start3A_704, %dma_start3A_705] : memref<32x200x128x32xf32, #tpu.memory_space<hbm>> -> memref<1x1x128x32xf32, #tpu.memory_space<hbm>>
      %dma_start3A_707 = tpu.memref_squeeze %dma_start3A_706 : memref<1x1x128x32xf32, #tpu.memory_space<hbm>> -> memref<128x32xf32, #tpu.memory_space<hbm>>
      %dma_start3A_708 = arith.constant 0 : i32
      %dma_start3A_709 = arith.constant 0 : i32
      %dma_start3A_710 = tpu.memref_slice %arg6[%dma_start3A_690, %dma_start3A_691, %dma_start3A_708, %dma_start3A_709] : memref<2x5x128x32xf32, #tpu.memory_space<vmem>> -> memref<1x1x128x32xf32, #tpu.memory_space<vmem>>
      %dma_start3A_711 = tpu.memref_squeeze %dma_start3A_710 : memref<1x1x128x32xf32, #tpu.memory_space<vmem>> -> memref<128x32xf32, #tpu.memory_space<vmem>>
      tpu.enqueue_dma source(%dma_start3A_711 : memref<128x32xf32, #tpu.memory_space<vmem>>) target(%dma_start3A_707 : memref<128x32xf32, #tpu.memory_space<hbm>>) target_semaphore(%dma_start3A_703 : memref<!tpu.dma_semaphore, #tpu.memory_space<semaphore_mem>>)
      %add3A_712 = arith.constant 5 : i32
      %add3A_713 = arith.addi %add3A_669, %add3A_712 : i32
      %lt3A_714 = arith.constant 200 : i32
      %lt3A_715 = arith.cmpi slt, %add3A_713, %lt3A_714 : i32
      %convert_element_type3A_716 = arith.extui %lt3A_715 : i1 to i32
      %cond3A_717 = arith.constant 0 : i32
      %cond3A_718 = arith.cmpi ne, %convert_element_type3A_716, %cond3A_717 : i32
      scf.if %cond3A_718 {
        %gt3A = arith.constant 0 : i32
        %gt3A_825 = arith.cmpi sgt, %add3A_559, %gt3A : i32
        %convert_element_type3A_826 = arith.extui %gt3A_825 : i1 to i32
        %cond3A_827 = arith.constant 0 : i32
        %cond3A_828 = arith.cmpi ne, %convert_element_type3A_826, %cond3A_827 : i32
        scf.if %cond3A_828 {
          %dma_wait3A_845 = arith.constant 0 : i32
          %dma_wait3A_846 = arith.constant 2 : i32
          %dma_wait3A_847 = arith.constant 0 : i32
          %dma_wait3A_848 = arith.constant 2 : i32
          %dma_wait3A_849 = arith.constant 0 : i32
          %dma_wait3A_850 = arith.constant 0 : i32
          %dma_wait3A_851 = tpu.memref_slice %arg6[%dma_wait3A_845, %dma_wait3A_846, %dma_wait3A_849, %dma_wait3A_850] : memref<2x5x128x32xf32, #tpu.memory_space<vmem>> -> memref<1x1x128x32xf32, #tpu.memory_space<vmem>>
          %dma_wait3A_852 = tpu.memref_squeeze %dma_wait3A_851 : memref<1x1x128x32xf32, #tpu.memory_space<vmem>> -> memref<128x32xf32, #tpu.memory_space<vmem>>
          %dma_wait3A_853 = arith.constant 0 : i32
          %dma_wait3A_854 = arith.constant 0 : i32
          %dma_wait3A_855 = tpu.memref_slice %arg2[%dma_wait3A_853, %dma_wait3A_854] : memref<1000000x32xf32, #tpu.memory_space<hbm>> -> memref<128x32xf32, #tpu.memory_space<hbm>>
          %dma_wait3A_856 = tpu.memref_slice %arg8[%dma_wait3A_847, %dma_wait3A_848] : memref<2x5x!tpu.dma_semaphore, #tpu.memory_space<semaphore_mem>> -> memref<1x1x!tpu.dma_semaphore, #tpu.memory_space<semaphore_mem>>
          %dma_wait3A_857 = tpu.memref_squeeze %dma_wait3A_856 : memref<1x1x!tpu.dma_semaphore, #tpu.memory_space<semaphore_mem>> -> memref<!tpu.dma_semaphore, #tpu.memory_space<semaphore_mem>>
          %dma_wait3A_858 = arith.constant 0 : i32
          %dma_wait3A_859 = arith.constant 0 : i32
          %dma_wait3A_860 = tpu.memref_slice %arg6[%dma_wait3A_845, %dma_wait3A_846, %dma_wait3A_858, %dma_wait3A_859] : memref<2x5x128x32xf32, #tpu.memory_space<vmem>> -> memref<1x1x128x32xf32, #tpu.memory_space<vmem>>
          %dma_wait3A_861 = tpu.memref_squeeze %dma_wait3A_860 : memref<1x1x128x32xf32, #tpu.memory_space<vmem>> -> memref<128x32xf32, #tpu.memory_space<vmem>>
          %dma_wait3A_862 = arith.constant 0 : i32
          %dma_wait3A_863 = arith.constant 0 : i32
          %dma_wait3A_864 = tpu.memref_slice %arg2[%dma_wait3A_862, %dma_wait3A_863] : memref<1000000x32xf32, #tpu.memory_space<hbm>> -> memref<128x32xf32, #tpu.memory_space<hbm>>
          tpu.wait_dma2 semaphore(%dma_wait3A_857 : memref<!tpu.dma_semaphore, #tpu.memory_space<semaphore_mem>>) src(%dma_wait3A_864 : memref<128x32xf32, #tpu.memory_space<hbm>>) dst(%dma_wait3A_861 : memref<128x32xf32, #tpu.memory_space<vmem>>)
        } else {
        }
        %dma_start3A_829 = arith.constant 0 : i32
        %dma_start3A_830 = arith.constant 2 : i32
        %dma_start3A_831 = arith.constant 0 : i32
        %dma_start3A_832 = arith.constant 2 : i32
        %dma_start3A_833 = arith.constant 0 : i32
        %dma_start3A_834 = arith.constant 0 : i32
        %dma_start3A_835 = tpu.memref_slice %arg6[%dma_start3A_829, %dma_start3A_830, %dma_start3A_833, %dma_start3A_834] : memref<2x5x128x32xf32, #tpu.memory_space<vmem>> -> memref<1x1x128x32xf32, #tpu.memory_space<vmem>>
        %dma_start3A_836 = tpu.memref_squeeze %dma_start3A_835 : memref<1x1x128x32xf32, #tpu.memory_space<vmem>> -> memref<128x32xf32, #tpu.memory_space<vmem>>
        %dma_start3A_837 = arith.constant 0 : i32
        %dma_start3A_838 = tpu.memref_slice %arg5[%add3A_713, %dma_start3A_837] : memref<200x128xi32, #tpu.memory_space<vmem>> -> memref<1x128xi32, #tpu.memory_space<vmem>>
        %dma_start3A_839 = tpu.memref_squeeze %dma_start3A_838 : memref<1x128xi32, #tpu.memory_space<vmem>> -> memref<128xi32, #tpu.memory_space<vmem>>
        %dma_start3A_840 = arith.constant 0 : i32
        %dma_start3A_841 = arith.constant 0 : i32
        %dma_start3A_842 = tpu.memref_slice %arg2[%dma_start3A_840, %dma_start3A_841] : memref<1000000x32xf32, #tpu.memory_space<hbm>> -> memref<1000000x32xf32, #tpu.memory_space<hbm>>
        %dma_start3A_843 = tpu.memref_slice %arg7[%dma_start3A_831, %dma_start3A_832] : memref<2x5x!tpu.dma_semaphore, #tpu.memory_space<semaphore_mem>> -> memref<1x1x!tpu.dma_semaphore, #tpu.memory_space<semaphore_mem>>
        %dma_start3A_844 = tpu.memref_squeeze %dma_start3A_843 : memref<1x1x!tpu.dma_semaphore, #tpu.memory_space<semaphore_mem>> -> memref<!tpu.dma_semaphore, #tpu.memory_space<semaphore_mem>>
        tpu.enqueue_indirect_dma source(%dma_start3A_842 : memref<1000000x32xf32, #tpu.memory_space<hbm>>) target(%dma_start3A_836 : memref<128x32xf32, #tpu.memory_space<vmem>>) offsets(%dma_start3A_839 : memref<128xi32, #tpu.memory_space<vmem>>) semaphore(%dma_start3A_844 : memref<!tpu.dma_semaphore, #tpu.memory_space<semaphore_mem>>)
      } else {
      }
      %mul3A_719 = arith.constant 5 : i32
      %mul3A_720 = arith.muli %add3A_559, %mul3A_719 : i32
      %add3A_721 = arith.constant 3 : i32
      %add3A_722 = arith.addi %mul3A_720, %add3A_721 : i32
      %dma_wait3A_723 = arith.constant 1 : i32
      %dma_wait3A_724 = arith.constant 3 : i32
      %dma_wait3A_725 = arith.constant 1 : i32
      %dma_wait3A_726 = arith.constant 3 : i32
      %dma_wait3A_727 = arith.constant 0 : i32
      %dma_wait3A_728 = arith.constant 0 : i32
      %dma_wait3A_729 = tpu.memref_slice %arg6[%dma_wait3A_723, %dma_wait3A_724, %dma_wait3A_727, %dma_wait3A_728] : memref<2x5x128x32xf32, #tpu.memory_space<vmem>> -> memref<1x1x128x32xf32, #tpu.memory_space<vmem>>
      %dma_wait3A_730 = tpu.memref_squeeze %dma_wait3A_729 : memref<1x1x128x32xf32, #tpu.memory_space<vmem>> -> memref<128x32xf32, #tpu.memory_space<vmem>>
      %dma_wait3A_731 = arith.constant 0 : i32
      %dma_wait3A_732 = arith.constant 0 : i32
      %dma_wait3A_733 = tpu.memref_slice %arg2[%dma_wait3A_731, %dma_wait3A_732] : memref<1000000x32xf32, #tpu.memory_space<hbm>> -> memref<128x32xf32, #tpu.memory_space<hbm>>
      %dma_wait3A_734 = tpu.memref_slice %arg7[%dma_wait3A_725, %dma_wait3A_726] : memref<2x5x!tpu.dma_semaphore, #tpu.memory_space<semaphore_mem>> -> memref<1x1x!tpu.dma_semaphore, #tpu.memory_space<semaphore_mem>>
      %dma_wait3A_735 = tpu.memref_squeeze %dma_wait3A_734 : memref<1x1x!tpu.dma_semaphore, #tpu.memory_space<semaphore_mem>> -> memref<!tpu.dma_semaphore, #tpu.memory_space<semaphore_mem>>
      %dma_wait3A_736 = arith.constant 0 : i32
      %dma_wait3A_737 = arith.constant 0 : i32
      %dma_wait3A_738 = tpu.memref_slice %arg6[%dma_wait3A_723, %dma_wait3A_724, %dma_wait3A_736, %dma_wait3A_737] : memref<2x5x128x32xf32, #tpu.memory_space<vmem>> -> memref<1x1x128x32xf32, #tpu.memory_space<vmem>>
      %dma_wait3A_739 = tpu.memref_squeeze %dma_wait3A_738 : memref<1x1x128x32xf32, #tpu.memory_space<vmem>> -> memref<128x32xf32, #tpu.memory_space<vmem>>
      %dma_wait3A_740 = arith.constant 0 : i32
      %dma_wait3A_741 = arith.constant 0 : i32
      %dma_wait3A_742 = tpu.memref_slice %arg2[%dma_wait3A_740, %dma_wait3A_741] : memref<1000000x32xf32, #tpu.memory_space<hbm>> -> memref<128x32xf32, #tpu.memory_space<hbm>>
      tpu.wait_dma2 semaphore(%dma_wait3A_735 : memref<!tpu.dma_semaphore, #tpu.memory_space<semaphore_mem>>) src(%dma_wait3A_742 : memref<128x32xf32, #tpu.memory_space<hbm>>) dst(%dma_wait3A_739 : memref<128x32xf32, #tpu.memory_space<vmem>>)
      %dma_start3A_743 = arith.constant 1 : i32
      %dma_start3A_744 = arith.constant 3 : i32
      %dma_start3A_745 = arith.constant 1 : i32
      %dma_start3A_746 = arith.constant 3 : i32
      %dma_start3A_747 = arith.constant 0 : i32
      %dma_start3A_748 = arith.constant 0 : i32
      %dma_start3A_749 = tpu.memref_slice %arg6[%dma_start3A_743, %dma_start3A_744, %dma_start3A_747, %dma_start3A_748] : memref<2x5x128x32xf32, #tpu.memory_space<vmem>> -> memref<1x1x128x32xf32, #tpu.memory_space<vmem>>
      %dma_start3A_750 = tpu.memref_squeeze %dma_start3A_749 : memref<1x1x128x32xf32, #tpu.memory_space<vmem>> -> memref<128x32xf32, #tpu.memory_space<vmem>>
      %dma_start3A_751 = arith.constant 0 : i32
      %dma_start3A_752 = arith.constant 0 : i32
      %dma_start3A_753 = tpu.memref_slice %arg4[%add3A, %add3A_722, %dma_start3A_751, %dma_start3A_752] : memref<32x200x128x32xf32, #tpu.memory_space<hbm>> -> memref<1x1x128x32xf32, #tpu.memory_space<hbm>>
      %dma_start3A_754 = tpu.memref_squeeze %dma_start3A_753 : memref<1x1x128x32xf32, #tpu.memory_space<hbm>> -> memref<128x32xf32, #tpu.memory_space<hbm>>
      %dma_start3A_755 = tpu.memref_slice %arg8[%dma_start3A_745, %dma_start3A_746] : memref<2x5x!tpu.dma_semaphore, #tpu.memory_space<semaphore_mem>> -> memref<1x1x!tpu.dma_semaphore, #tpu.memory_space<semaphore_mem>>
      %dma_start3A_756 = tpu.memref_squeeze %dma_start3A_755 : memref<1x1x!tpu.dma_semaphore, #tpu.memory_space<semaphore_mem>> -> memref<!tpu.dma_semaphore, #tpu.memory_space<semaphore_mem>>
      %dma_start3A_757 = arith.constant 0 : i32
      %dma_start3A_758 = arith.constant 0 : i32
      %dma_start3A_759 = tpu.memref_slice %arg4[%add3A, %add3A_722, %dma_start3A_757, %dma_start3A_758] : memref<32x200x128x32xf32, #tpu.memory_space<hbm>> -> memref<1x1x128x32xf32, #tpu.memory_space<hbm>>
      %dma_start3A_760 = tpu.memref_squeeze %dma_start3A_759 : memref<1x1x128x32xf32, #tpu.memory_space<hbm>> -> memref<128x32xf32, #tpu.memory_space<hbm>>
      %dma_start3A_761 = arith.constant 0 : i32
      %dma_start3A_762 = arith.constant 0 : i32
      %dma_start3A_763 = tpu.memref_slice %arg6[%dma_start3A_743, %dma_start3A_744, %dma_start3A_761, %dma_start3A_762] : memref<2x5x128x32xf32, #tpu.memory_space<vmem>> -> memref<1x1x128x32xf32, #tpu.memory_space<vmem>>
      %dma_start3A_764 = tpu.memref_squeeze %dma_start3A_763 : memref<1x1x128x32xf32, #tpu.memory_space<vmem>> -> memref<128x32xf32, #tpu.memory_space<vmem>>
      tpu.enqueue_dma source(%dma_start3A_764 : memref<128x32xf32, #tpu.memory_space<vmem>>) target(%dma_start3A_760 : memref<128x32xf32, #tpu.memory_space<hbm>>) target_semaphore(%dma_start3A_756 : memref<!tpu.dma_semaphore, #tpu.memory_space<semaphore_mem>>)
      %add3A_765 = arith.constant 5 : i32
      %add3A_766 = arith.addi %add3A_722, %add3A_765 : i32
      %lt3A_767 = arith.constant 200 : i32
      %lt3A_768 = arith.cmpi slt, %add3A_766, %lt3A_767 : i32
      %convert_element_type3A_769 = arith.extui %lt3A_768 : i1 to i32
      %cond3A_770 = arith.constant 0 : i32
      %cond3A_771 = arith.cmpi ne, %convert_element_type3A_769, %cond3A_770 : i32
      scf.if %cond3A_771 {
        %gt3A = arith.constant 0 : i32
        %gt3A_825 = arith.cmpi sgt, %add3A_559, %gt3A : i32
        %convert_element_type3A_826 = arith.extui %gt3A_825 : i1 to i32
        %cond3A_827 = arith.constant 0 : i32
        %cond3A_828 = arith.cmpi ne, %convert_element_type3A_826, %cond3A_827 : i32
        scf.if %cond3A_828 {
          %dma_wait3A_845 = arith.constant 0 : i32
          %dma_wait3A_846 = arith.constant 3 : i32
          %dma_wait3A_847 = arith.constant 0 : i32
          %dma_wait3A_848 = arith.constant 3 : i32
          %dma_wait3A_849 = arith.constant 0 : i32
          %dma_wait3A_850 = arith.constant 0 : i32
          %dma_wait3A_851 = tpu.memref_slice %arg6[%dma_wait3A_845, %dma_wait3A_846, %dma_wait3A_849, %dma_wait3A_850] : memref<2x5x128x32xf32, #tpu.memory_space<vmem>> -> memref<1x1x128x32xf32, #tpu.memory_space<vmem>>
          %dma_wait3A_852 = tpu.memref_squeeze %dma_wait3A_851 : memref<1x1x128x32xf32, #tpu.memory_space<vmem>> -> memref<128x32xf32, #tpu.memory_space<vmem>>
          %dma_wait3A_853 = arith.constant 0 : i32
          %dma_wait3A_854 = arith.constant 0 : i32
          %dma_wait3A_855 = tpu.memref_slice %arg2[%dma_wait3A_853, %dma_wait3A_854] : memref<1000000x32xf32, #tpu.memory_space<hbm>> -> memref<128x32xf32, #tpu.memory_space<hbm>>
          %dma_wait3A_856 = tpu.memref_slice %arg8[%dma_wait3A_847, %dma_wait3A_848] : memref<2x5x!tpu.dma_semaphore, #tpu.memory_space<semaphore_mem>> -> memref<1x1x!tpu.dma_semaphore, #tpu.memory_space<semaphore_mem>>
          %dma_wait3A_857 = tpu.memref_squeeze %dma_wait3A_856 : memref<1x1x!tpu.dma_semaphore, #tpu.memory_space<semaphore_mem>> -> memref<!tpu.dma_semaphore, #tpu.memory_space<semaphore_mem>>
          %dma_wait3A_858 = arith.constant 0 : i32
          %dma_wait3A_859 = arith.constant 0 : i32
          %dma_wait3A_860 = tpu.memref_slice %arg6[%dma_wait3A_845, %dma_wait3A_846, %dma_wait3A_858, %dma_wait3A_859] : memref<2x5x128x32xf32, #tpu.memory_space<vmem>> -> memref<1x1x128x32xf32, #tpu.memory_space<vmem>>
          %dma_wait3A_861 = tpu.memref_squeeze %dma_wait3A_860 : memref<1x1x128x32xf32, #tpu.memory_space<vmem>> -> memref<128x32xf32, #tpu.memory_space<vmem>>
          %dma_wait3A_862 = arith.constant 0 : i32
          %dma_wait3A_863 = arith.constant 0 : i32
          %dma_wait3A_864 = tpu.memref_slice %arg2[%dma_wait3A_862, %dma_wait3A_863] : memref<1000000x32xf32, #tpu.memory_space<hbm>> -> memref<128x32xf32, #tpu.memory_space<hbm>>
          tpu.wait_dma2 semaphore(%dma_wait3A_857 : memref<!tpu.dma_semaphore, #tpu.memory_space<semaphore_mem>>) src(%dma_wait3A_864 : memref<128x32xf32, #tpu.memory_space<hbm>>) dst(%dma_wait3A_861 : memref<128x32xf32, #tpu.memory_space<vmem>>)
        } else {
        }
        %dma_start3A_829 = arith.constant 0 : i32
        %dma_start3A_830 = arith.constant 3 : i32
        %dma_start3A_831 = arith.constant 0 : i32
        %dma_start3A_832 = arith.constant 3 : i32
        %dma_start3A_833 = arith.constant 0 : i32
        %dma_start3A_834 = arith.constant 0 : i32
        %dma_start3A_835 = tpu.memref_slice %arg6[%dma_start3A_829, %dma_start3A_830, %dma_start3A_833, %dma_start3A_834] : memref<2x5x128x32xf32, #tpu.memory_space<vmem>> -> memref<1x1x128x32xf32, #tpu.memory_space<vmem>>
        %dma_start3A_836 = tpu.memref_squeeze %dma_start3A_835 : memref<1x1x128x32xf32, #tpu.memory_space<vmem>> -> memref<128x32xf32, #tpu.memory_space<vmem>>
        %dma_start3A_837 = arith.constant 0 : i32
        %dma_start3A_838 = tpu.memref_slice %arg5[%add3A_766, %dma_start3A_837] : memref<200x128xi32, #tpu.memory_space<vmem>> -> memref<1x128xi32, #tpu.memory_space<vmem>>
        %dma_start3A_839 = tpu.memref_squeeze %dma_start3A_838 : memref<1x128xi32, #tpu.memory_space<vmem>> -> memref<128xi32, #tpu.memory_space<vmem>>
        %dma_start3A_840 = arith.constant 0 : i32
        %dma_start3A_841 = arith.constant 0 : i32
        %dma_start3A_842 = tpu.memref_slice %arg2[%dma_start3A_840, %dma_start3A_841] : memref<1000000x32xf32, #tpu.memory_space<hbm>> -> memref<1000000x32xf32, #tpu.memory_space<hbm>>
        %dma_start3A_843 = tpu.memref_slice %arg7[%dma_start3A_831, %dma_start3A_832] : memref<2x5x!tpu.dma_semaphore, #tpu.memory_space<semaphore_mem>> -> memref<1x1x!tpu.dma_semaphore, #tpu.memory_space<semaphore_mem>>
        %dma_start3A_844 = tpu.memref_squeeze %dma_start3A_843 : memref<1x1x!tpu.dma_semaphore, #tpu.memory_space<semaphore_mem>> -> memref<!tpu.dma_semaphore, #tpu.memory_space<semaphore_mem>>
        tpu.enqueue_indirect_dma source(%dma_start3A_842 : memref<1000000x32xf32, #tpu.memory_space<hbm>>) target(%dma_start3A_836 : memref<128x32xf32, #tpu.memory_space<vmem>>) offsets(%dma_start3A_839 : memref<128xi32, #tpu.memory_space<vmem>>) semaphore(%dma_start3A_844 : memref<!tpu.dma_semaphore, #tpu.memory_space<semaphore_mem>>)
      } else {
      }
      %mul3A_772 = arith.constant 5 : i32
      %mul3A_773 = arith.muli %add3A_559, %mul3A_772 : i32
      %add3A_774 = arith.constant 4 : i32
      %add3A_775 = arith.addi %mul3A_773, %add3A_774 : i32
      %dma_wait3A_776 = arith.constant 1 : i32
      %dma_wait3A_777 = arith.constant 4 : i32
      %dma_wait3A_778 = arith.constant 1 : i32
      %dma_wait3A_779 = arith.constant 4 : i32
      %dma_wait3A_780 = arith.constant 0 : i32
      %dma_wait3A_781 = arith.constant 0 : i32
      %dma_wait3A_782 = tpu.memref_slice %arg6[%dma_wait3A_776, %dma_wait3A_777, %dma_wait3A_780, %dma_wait3A_781] : memref<2x5x128x32xf32, #tpu.memory_space<vmem>> -> memref<1x1x128x32xf32, #tpu.memory_space<vmem>>
      %dma_wait3A_783 = tpu.memref_squeeze %dma_wait3A_782 : memref<1x1x128x32xf32, #tpu.memory_space<vmem>> -> memref<128x32xf32, #tpu.memory_space<vmem>>
      %dma_wait3A_784 = arith.constant 0 : i32
      %dma_wait3A_785 = arith.constant 0 : i32
      %dma_wait3A_786 = tpu.memref_slice %arg2[%dma_wait3A_784, %dma_wait3A_785] : memref<1000000x32xf32, #tpu.memory_space<hbm>> -> memref<128x32xf32, #tpu.memory_space<hbm>>
      %dma_wait3A_787 = tpu.memref_slice %arg7[%dma_wait3A_778, %dma_wait3A_779] : memref<2x5x!tpu.dma_semaphore, #tpu.memory_space<semaphore_mem>> -> memref<1x1x!tpu.dma_semaphore, #tpu.memory_space<semaphore_mem>>
      %dma_wait3A_788 = tpu.memref_squeeze %dma_wait3A_787 : memref<1x1x!tpu.dma_semaphore, #tpu.memory_space<semaphore_mem>> -> memref<!tpu.dma_semaphore, #tpu.memory_space<semaphore_mem>>
      %dma_wait3A_789 = arith.constant 0 : i32
      %dma_wait3A_790 = arith.constant 0 : i32
      %dma_wait3A_791 = tpu.memref_slice %arg6[%dma_wait3A_776, %dma_wait3A_777, %dma_wait3A_789, %dma_wait3A_790] : memref<2x5x128x32xf32, #tpu.memory_space<vmem>> -> memref<1x1x128x32xf32, #tpu.memory_space<vmem>>
      %dma_wait3A_792 = tpu.memref_squeeze %dma_wait3A_791 : memref<1x1x128x32xf32, #tpu.memory_space<vmem>> -> memref<128x32xf32, #tpu.memory_space<vmem>>
      %dma_wait3A_793 = arith.constant 0 : i32
      %dma_wait3A_794 = arith.constant 0 : i32
      %dma_wait3A_795 = tpu.memref_slice %arg2[%dma_wait3A_793, %dma_wait3A_794] : memref<1000000x32xf32, #tpu.memory_space<hbm>> -> memref<128x32xf32, #tpu.memory_space<hbm>>
      tpu.wait_dma2 semaphore(%dma_wait3A_788 : memref<!tpu.dma_semaphore, #tpu.memory_space<semaphore_mem>>) src(%dma_wait3A_795 : memref<128x32xf32, #tpu.memory_space<hbm>>) dst(%dma_wait3A_792 : memref<128x32xf32, #tpu.memory_space<vmem>>)
      %dma_start3A_796 = arith.constant 1 : i32
      %dma_start3A_797 = arith.constant 4 : i32
      %dma_start3A_798 = arith.constant 1 : i32
      %dma_start3A_799 = arith.constant 4 : i32
      %dma_start3A_800 = arith.constant 0 : i32
      %dma_start3A_801 = arith.constant 0 : i32
      %dma_start3A_802 = tpu.memref_slice %arg6[%dma_start3A_796, %dma_start3A_797, %dma_start3A_800, %dma_start3A_801] : memref<2x5x128x32xf32, #tpu.memory_space<vmem>> -> memref<1x1x128x32xf32, #tpu.memory_space<vmem>>
      %dma_start3A_803 = tpu.memref_squeeze %dma_start3A_802 : memref<1x1x128x32xf32, #tpu.memory_space<vmem>> -> memref<128x32xf32, #tpu.memory_space<vmem>>
      %dma_start3A_804 = arith.constant 0 : i32
      %dma_start3A_805 = arith.constant 0 : i32
      %dma_start3A_806 = tpu.memref_slice %arg4[%add3A, %add3A_775, %dma_start3A_804, %dma_start3A_805] : memref<32x200x128x32xf32, #tpu.memory_space<hbm>> -> memref<1x1x128x32xf32, #tpu.memory_space<hbm>>
      %dma_start3A_807 = tpu.memref_squeeze %dma_start3A_806 : memref<1x1x128x32xf32, #tpu.memory_space<hbm>> -> memref<128x32xf32, #tpu.memory_space<hbm>>
      %dma_start3A_808 = tpu.memref_slice %arg8[%dma_start3A_798, %dma_start3A_799] : memref<2x5x!tpu.dma_semaphore, #tpu.memory_space<semaphore_mem>> -> memref<1x1x!tpu.dma_semaphore, #tpu.memory_space<semaphore_mem>>
      %dma_start3A_809 = tpu.memref_squeeze %dma_start3A_808 : memref<1x1x!tpu.dma_semaphore, #tpu.memory_space<semaphore_mem>> -> memref<!tpu.dma_semaphore, #tpu.memory_space<semaphore_mem>>
      %dma_start3A_810 = arith.constant 0 : i32
      %dma_start3A_811 = arith.constant 0 : i32
      %dma_start3A_812 = tpu.memref_slice %arg4[%add3A, %add3A_775, %dma_start3A_810, %dma_start3A_811] : memref<32x200x128x32xf32, #tpu.memory_space<hbm>> -> memref<1x1x128x32xf32, #tpu.memory_space<hbm>>
      %dma_start3A_813 = tpu.memref_squeeze %dma_start3A_812 : memref<1x1x128x32xf32, #tpu.memory_space<hbm>> -> memref<128x32xf32, #tpu.memory_space<hbm>>
      %dma_start3A_814 = arith.constant 0 : i32
      %dma_start3A_815 = arith.constant 0 : i32
      %dma_start3A_816 = tpu.memref_slice %arg6[%dma_start3A_796, %dma_start3A_797, %dma_start3A_814, %dma_start3A_815] : memref<2x5x128x32xf32, #tpu.memory_space<vmem>> -> memref<1x1x128x32xf32, #tpu.memory_space<vmem>>
      %dma_start3A_817 = tpu.memref_squeeze %dma_start3A_816 : memref<1x1x128x32xf32, #tpu.memory_space<vmem>> -> memref<128x32xf32, #tpu.memory_space<vmem>>
      tpu.enqueue_dma source(%dma_start3A_817 : memref<128x32xf32, #tpu.memory_space<vmem>>) target(%dma_start3A_813 : memref<128x32xf32, #tpu.memory_space<hbm>>) target_semaphore(%dma_start3A_809 : memref<!tpu.dma_semaphore, #tpu.memory_space<semaphore_mem>>)
      %add3A_818 = arith.constant 5 : i32
      %add3A_819 = arith.addi %add3A_775, %add3A_818 : i32
      %lt3A_820 = arith.constant 200 : i32
      %lt3A_821 = arith.cmpi slt, %add3A_819, %lt3A_820 : i32
      %convert_element_type3A_822 = arith.extui %lt3A_821 : i1 to i32
      %cond3A_823 = arith.constant 0 : i32
      %cond3A_824 = arith.cmpi ne, %convert_element_type3A_822, %cond3A_823 : i32
      scf.if %cond3A_824 {
        %gt3A = arith.constant 0 : i32
        %gt3A_825 = arith.cmpi sgt, %add3A_559, %gt3A : i32
        %convert_element_type3A_826 = arith.extui %gt3A_825 : i1 to i32
        %cond3A_827 = arith.constant 0 : i32
        %cond3A_828 = arith.cmpi ne, %convert_element_type3A_826, %cond3A_827 : i32
        scf.if %cond3A_828 {
          %dma_wait3A_845 = arith.constant 0 : i32
          %dma_wait3A_846 = arith.constant 4 : i32
          %dma_wait3A_847 = arith.constant 0 : i32
          %dma_wait3A_848 = arith.constant 4 : i32
          %dma_wait3A_849 = arith.constant 0 : i32
          %dma_wait3A_850 = arith.constant 0 : i32
          %dma_wait3A_851 = tpu.memref_slice %arg6[%dma_wait3A_845, %dma_wait3A_846, %dma_wait3A_849, %dma_wait3A_850] : memref<2x5x128x32xf32, #tpu.memory_space<vmem>> -> memref<1x1x128x32xf32, #tpu.memory_space<vmem>>
          %dma_wait3A_852 = tpu.memref_squeeze %dma_wait3A_851 : memref<1x1x128x32xf32, #tpu.memory_space<vmem>> -> memref<128x32xf32, #tpu.memory_space<vmem>>
          %dma_wait3A_853 = arith.constant 0 : i32
          %dma_wait3A_854 = arith.constant 0 : i32
          %dma_wait3A_855 = tpu.memref_slice %arg2[%dma_wait3A_853, %dma_wait3A_854] : memref<1000000x32xf32, #tpu.memory_space<hbm>> -> memref<128x32xf32, #tpu.memory_space<hbm>>
          %dma_wait3A_856 = tpu.memref_slice %arg8[%dma_wait3A_847, %dma_wait3A_848] : memref<2x5x!tpu.dma_semaphore, #tpu.memory_space<semaphore_mem>> -> memref<1x1x!tpu.dma_semaphore, #tpu.memory_space<semaphore_mem>>
          %dma_wait3A_857 = tpu.memref_squeeze %dma_wait3A_856 : memref<1x1x!tpu.dma_semaphore, #tpu.memory_space<semaphore_mem>> -> memref<!tpu.dma_semaphore, #tpu.memory_space<semaphore_mem>>
          %dma_wait3A_858 = arith.constant 0 : i32
          %dma_wait3A_859 = arith.constant 0 : i32
          %dma_wait3A_860 = tpu.memref_slice %arg6[%dma_wait3A_845, %dma_wait3A_846, %dma_wait3A_858, %dma_wait3A_859] : memref<2x5x128x32xf32, #tpu.memory_space<vmem>> -> memref<1x1x128x32xf32, #tpu.memory_space<vmem>>
          %dma_wait3A_861 = tpu.memref_squeeze %dma_wait3A_860 : memref<1x1x128x32xf32, #tpu.memory_space<vmem>> -> memref<128x32xf32, #tpu.memory_space<vmem>>
          %dma_wait3A_862 = arith.constant 0 : i32
          %dma_wait3A_863 = arith.constant 0 : i32
          %dma_wait3A_864 = tpu.memref_slice %arg2[%dma_wait3A_862, %dma_wait3A_863] : memref<1000000x32xf32, #tpu.memory_space<hbm>> -> memref<128x32xf32, #tpu.memory_space<hbm>>
          tpu.wait_dma2 semaphore(%dma_wait3A_857 : memref<!tpu.dma_semaphore, #tpu.memory_space<semaphore_mem>>) src(%dma_wait3A_864 : memref<128x32xf32, #tpu.memory_space<hbm>>) dst(%dma_wait3A_861 : memref<128x32xf32, #tpu.memory_space<vmem>>)
        } else {
        }
        %dma_start3A_829 = arith.constant 0 : i32
        %dma_start3A_830 = arith.constant 4 : i32
        %dma_start3A_831 = arith.constant 0 : i32
        %dma_start3A_832 = arith.constant 4 : i32
        %dma_start3A_833 = arith.constant 0 : i32
        %dma_start3A_834 = arith.constant 0 : i32
        %dma_start3A_835 = tpu.memref_slice %arg6[%dma_start3A_829, %dma_start3A_830, %dma_start3A_833, %dma_start3A_834] : memref<2x5x128x32xf32, #tpu.memory_space<vmem>> -> memref<1x1x128x32xf32, #tpu.memory_space<vmem>>
        %dma_start3A_836 = tpu.memref_squeeze %dma_start3A_835 : memref<1x1x128x32xf32, #tpu.memory_space<vmem>> -> memref<128x32xf32, #tpu.memory_space<vmem>>
        %dma_start3A_837 = arith.constant 0 : i32
        %dma_start3A_838 = tpu.memref_slice %arg5[%add3A_819, %dma_start3A_837] : memref<200x128xi32, #tpu.memory_space<vmem>> -> memref<1x128xi32, #tpu.memory_space<vmem>>
        %dma_start3A_839 = tpu.memref_squeeze %dma_start3A_838 : memref<1x128xi32, #tpu.memory_space<vmem>> -> memref<128xi32, #tpu.memory_space<vmem>>
        %dma_start3A_840 = arith.constant 0 : i32
        %dma_start3A_841 = arith.constant 0 : i32
        %dma_start3A_842 = tpu.memref_slice %arg2[%dma_start3A_840, %dma_start3A_841] : memref<1000000x32xf32, #tpu.memory_space<hbm>> -> memref<1000000x32xf32, #tpu.memory_space<hbm>>
        %dma_start3A_843 = tpu.memref_slice %arg7[%dma_start3A_831, %dma_start3A_832] : memref<2x5x!tpu.dma_semaphore, #tpu.memory_space<semaphore_mem>> -> memref<1x1x!tpu.dma_semaphore, #tpu.memory_space<semaphore_mem>>
        %dma_start3A_844 = tpu.memref_squeeze %dma_start3A_843 : memref<1x1x!tpu.dma_semaphore, #tpu.memory_space<semaphore_mem>> -> memref<!tpu.dma_semaphore, #tpu.memory_space<semaphore_mem>>
        tpu.enqueue_indirect_dma source(%dma_start3A_842 : memref<1000000x32xf32, #tpu.memory_space<hbm>>) target(%dma_start3A_836 : memref<128x32xf32, #tpu.memory_space<vmem>>) offsets(%dma_start3A_839 : memref<128xi32, #tpu.memory_space<vmem>>) semaphore(%dma_start3A_844 : memref<!tpu.dma_semaphore, #tpu.memory_space<semaphore_mem>>)
      } else {
      }
    }
    %scan3A_89 = arith.constant 20 : i32
    %dma_wait3A = arith.constant 0 : i32
    %dma_wait3A_90 = arith.constant 0 : i32
    %dma_wait3A_91 = arith.constant 0 : i32
    %dma_wait3A_92 = arith.constant 0 : i32
    %dma_wait3A_93 = arith.constant 0 : i32
    %dma_wait3A_94 = arith.constant 0 : i32
    %dma_wait3A_95 = tpu.memref_slice %arg6[%dma_wait3A, %dma_wait3A_90, %dma_wait3A_93, %dma_wait3A_94] : memref<2x5x128x32xf32, #tpu.memory_space<vmem>> -> memref<1x1x128x32xf32, #tpu.memory_space<vmem>>
    %dma_wait3A_96 = tpu.memref_squeeze %dma_wait3A_95 : memref<1x1x128x32xf32, #tpu.memory_space<vmem>> -> memref<128x32xf32, #tpu.memory_space<vmem>>
    %dma_wait3A_97 = arith.constant 0 : i32
    %dma_wait3A_98 = arith.constant 0 : i32
    %dma_wait3A_99 = tpu.memref_slice %arg2[%dma_wait3A_97, %dma_wait3A_98] : memref<1000000x32xf32, #tpu.memory_space<hbm>> -> memref<128x32xf32, #tpu.memory_space<hbm>>
    %dma_wait3A_100 = tpu.memref_slice %arg8[%dma_wait3A_91, %dma_wait3A_92] : memref<2x5x!tpu.dma_semaphore, #tpu.memory_space<semaphore_mem>> -> memref<1x1x!tpu.dma_semaphore, #tpu.memory_space<semaphore_mem>>
    %dma_wait3A_101 = tpu.memref_squeeze %dma_wait3A_100 : memref<1x1x!tpu.dma_semaphore, #tpu.memory_space<semaphore_mem>> -> memref<!tpu.dma_semaphore, #tpu.memory_space<semaphore_mem>>
    %dma_wait3A_102 = arith.constant 0 : i32
    %dma_wait3A_103 = arith.constant 0 : i32
    %dma_wait3A_104 = tpu.memref_slice %arg6[%dma_wait3A, %dma_wait3A_90, %dma_wait3A_102, %dma_wait3A_103] : memref<2x5x128x32xf32, #tpu.memory_space<vmem>> -> memref<1x1x128x32xf32, #tpu.memory_space<vmem>>
    %dma_wait3A_105 = tpu.memref_squeeze %dma_wait3A_104 : memref<1x1x128x32xf32, #tpu.memory_space<vmem>> -> memref<128x32xf32, #tpu.memory_space<vmem>>
    %dma_wait3A_106 = arith.constant 0 : i32
    %dma_wait3A_107 = arith.constant 0 : i32
    %dma_wait3A_108 = tpu.memref_slice %arg2[%dma_wait3A_106, %dma_wait3A_107] : memref<1000000x32xf32, #tpu.memory_space<hbm>> -> memref<128x32xf32, #tpu.memory_space<hbm>>
    tpu.wait_dma2 semaphore(%dma_wait3A_101 : memref<!tpu.dma_semaphore, #tpu.memory_space<semaphore_mem>>) src(%dma_wait3A_108 : memref<128x32xf32, #tpu.memory_space<hbm>>) dst(%dma_wait3A_105 : memref<128x32xf32, #tpu.memory_space<vmem>>)
    %dma_wait3A_109 = arith.constant 0 : i32
    %dma_wait3A_110 = arith.constant 1 : i32
    %dma_wait3A_111 = arith.constant 0 : i32
    %dma_wait3A_112 = arith.constant 1 : i32
    %dma_wait3A_113 = arith.constant 0 : i32
    %dma_wait3A_114 = arith.constant 0 : i32
    %dma_wait3A_115 = tpu.memref_slice %arg6[%dma_wait3A_109, %dma_wait3A_110, %dma_wait3A_113, %dma_wait3A_114] : memref<2x5x128x32xf32, #tpu.memory_space<vmem>> -> memref<1x1x128x32xf32, #tpu.memory_space<vmem>>
    %dma_wait3A_116 = tpu.memref_squeeze %dma_wait3A_115 : memref<1x1x128x32xf32, #tpu.memory_space<vmem>> -> memref<128x32xf32, #tpu.memory_space<vmem>>
    %dma_wait3A_117 = arith.constant 0 : i32
    %dma_wait3A_118 = arith.constant 0 : i32
    %dma_wait3A_119 = tpu.memref_slice %arg2[%dma_wait3A_117, %dma_wait3A_118] : memref<1000000x32xf32, #tpu.memory_space<hbm>> -> memref<128x32xf32, #tpu.memory_space<hbm>>
    %dma_wait3A_120 = tpu.memref_slice %arg8[%dma_wait3A_111, %dma_wait3A_112] : memref<2x5x!tpu.dma_semaphore, #tpu.memory_space<semaphore_mem>> -> memref<1x1x!tpu.dma_semaphore, #tpu.memory_space<semaphore_mem>>
    %dma_wait3A_121 = tpu.memref_squeeze %dma_wait3A_120 : memref<1x1x!tpu.dma_semaphore, #tpu.memory_space<semaphore_mem>> -> memref<!tpu.dma_semaphore, #tpu.memory_space<semaphore_mem>>
    %dma_wait3A_122 = arith.constant 0 : i32
    %dma_wait3A_123 = arith.constant 0 : i32
    %dma_wait3A_124 = tpu.memref_slice %arg6[%dma_wait3A_109, %dma_wait3A_110, %dma_wait3A_122, %dma_wait3A_123] : memref<2x5x128x32xf32, #tpu.memory_space<vmem>> -> memref<1x1x128x32xf32, #tpu.memory_space<vmem>>
    %dma_wait3A_125 = tpu.memref_squeeze %dma_wait3A_124 : memref<1x1x128x32xf32, #tpu.memory_space<vmem>> -> memref<128x32xf32, #tpu.memory_space<vmem>>
    %dma_wait3A_126 = arith.constant 0 : i32
    %dma_wait3A_127 = arith.constant 0 : i32
    %dma_wait3A_128 = tpu.memref_slice %arg2[%dma_wait3A_126, %dma_wait3A_127] : memref<1000000x32xf32, #tpu.memory_space<hbm>> -> memref<128x32xf32, #tpu.memory_space<hbm>>
    tpu.wait_dma2 semaphore(%dma_wait3A_121 : memref<!tpu.dma_semaphore, #tpu.memory_space<semaphore_mem>>) src(%dma_wait3A_128 : memref<128x32xf32, #tpu.memory_space<hbm>>) dst(%dma_wait3A_125 : memref<128x32xf32, #tpu.memory_space<vmem>>)
    %dma_wait3A_129 = arith.constant 0 : i32
    %dma_wait3A_130 = arith.constant 2 : i32
    %dma_wait3A_131 = arith.constant 0 : i32
    %dma_wait3A_132 = arith.constant 2 : i32
    %dma_wait3A_133 = arith.constant 0 : i32
    %dma_wait3A_134 = arith.constant 0 : i32
    %dma_wait3A_135 = tpu.memref_slice %arg6[%dma_wait3A_129, %dma_wait3A_130, %dma_wait3A_133, %dma_wait3A_134] : memref<2x5x128x32xf32, #tpu.memory_space<vmem>> -> memref<1x1x128x32xf32, #tpu.memory_space<vmem>>
    %dma_wait3A_136 = tpu.memref_squeeze %dma_wait3A_135 : memref<1x1x128x32xf32, #tpu.memory_space<vmem>> -> memref<128x32xf32, #tpu.memory_space<vmem>>
    %dma_wait3A_137 = arith.constant 0 : i32
    %dma_wait3A_138 = arith.constant 0 : i32
    %dma_wait3A_139 = tpu.memref_slice %arg2[%dma_wait3A_137, %dma_wait3A_138] : memref<1000000x32xf32, #tpu.memory_space<hbm>> -> memref<128x32xf32, #tpu.memory_space<hbm>>
    %dma_wait3A_140 = tpu.memref_slice %arg8[%dma_wait3A_131, %dma_wait3A_132] : memref<2x5x!tpu.dma_semaphore, #tpu.memory_space<semaphore_mem>> -> memref<1x1x!tpu.dma_semaphore, #tpu.memory_space<semaphore_mem>>
    %dma_wait3A_141 = tpu.memref_squeeze %dma_wait3A_140 : memref<1x1x!tpu.dma_semaphore, #tpu.memory_space<semaphore_mem>> -> memref<!tpu.dma_semaphore, #tpu.memory_space<semaphore_mem>>
    %dma_wait3A_142 = arith.constant 0 : i32
    %dma_wait3A_143 = arith.constant 0 : i32
    %dma_wait3A_144 = tpu.memref_slice %arg6[%dma_wait3A_129, %dma_wait3A_130, %dma_wait3A_142, %dma_wait3A_143] : memref<2x5x128x32xf32, #tpu.memory_space<vmem>> -> memref<1x1x128x32xf32, #tpu.memory_space<vmem>>
    %dma_wait3A_145 = tpu.memref_squeeze %dma_wait3A_144 : memref<1x1x128x32xf32, #tpu.memory_space<vmem>> -> memref<128x32xf32, #tpu.memory_space<vmem>>
    %dma_wait3A_146 = arith.constant 0 : i32
    %dma_wait3A_147 = arith.constant 0 : i32
    %dma_wait3A_148 = tpu.memref_slice %arg2[%dma_wait3A_146, %dma_wait3A_147] : memref<1000000x32xf32, #tpu.memory_space<hbm>> -> memref<128x32xf32, #tpu.memory_space<hbm>>
    tpu.wait_dma2 semaphore(%dma_wait3A_141 : memref<!tpu.dma_semaphore, #tpu.memory_space<semaphore_mem>>) src(%dma_wait3A_148 : memref<128x32xf32, #tpu.memory_space<hbm>>) dst(%dma_wait3A_145 : memref<128x32xf32, #tpu.memory_space<vmem>>)
    %dma_wait3A_149 = arith.constant 0 : i32
    %dma_wait3A_150 = arith.constant 3 : i32
    %dma_wait3A_151 = arith.constant 0 : i32
    %dma_wait3A_152 = arith.constant 3 : i32
    %dma_wait3A_153 = arith.constant 0 : i32
    %dma_wait3A_154 = arith.constant 0 : i32
    %dma_wait3A_155 = tpu.memref_slice %arg6[%dma_wait3A_149, %dma_wait3A_150, %dma_wait3A_153, %dma_wait3A_154] : memref<2x5x128x32xf32, #tpu.memory_space<vmem>> -> memref<1x1x128x32xf32, #tpu.memory_space<vmem>>
    %dma_wait3A_156 = tpu.memref_squeeze %dma_wait3A_155 : memref<1x1x128x32xf32, #tpu.memory_space<vmem>> -> memref<128x32xf32, #tpu.memory_space<vmem>>
    %dma_wait3A_157 = arith.constant 0 : i32
    %dma_wait3A_158 = arith.constant 0 : i32
    %dma_wait3A_159 = tpu.memref_slice %arg2[%dma_wait3A_157, %dma_wait3A_158] : memref<1000000x32xf32, #tpu.memory_space<hbm>> -> memref<128x32xf32, #tpu.memory_space<hbm>>
    %dma_wait3A_160 = tpu.memref_slice %arg8[%dma_wait3A_151, %dma_wait3A_152] : memref<2x5x!tpu.dma_semaphore, #tpu.memory_space<semaphore_mem>> -> memref<1x1x!tpu.dma_semaphore, #tpu.memory_space<semaphore_mem>>
    %dma_wait3A_161 = tpu.memref_squeeze %dma_wait3A_160 : memref<1x1x!tpu.dma_semaphore, #tpu.memory_space<semaphore_mem>> -> memref<!tpu.dma_semaphore, #tpu.memory_space<semaphore_mem>>
    %dma_wait3A_162 = arith.constant 0 : i32
    %dma_wait3A_163 = arith.constant 0 : i32
    %dma_wait3A_164 = tpu.memref_slice %arg6[%dma_wait3A_149, %dma_wait3A_150, %dma_wait3A_162, %dma_wait3A_163] : memref<2x5x128x32xf32, #tpu.memory_space<vmem>> -> memref<1x1x128x32xf32, #tpu.memory_space<vmem>>
    %dma_wait3A_165 = tpu.memref_squeeze %dma_wait3A_164 : memref<1x1x128x32xf32, #tpu.memory_space<vmem>> -> memref<128x32xf32, #tpu.memory_space<vmem>>
    %dma_wait3A_166 = arith.constant 0 : i32
    %dma_wait3A_167 = arith.constant 0 : i32
    %dma_wait3A_168 = tpu.memref_slice %arg2[%dma_wait3A_166, %dma_wait3A_167] : memref<1000000x32xf32, #tpu.memory_space<hbm>> -> memref<128x32xf32, #tpu.memory_space<hbm>>
    tpu.wait_dma2 semaphore(%dma_wait3A_161 : memref<!tpu.dma_semaphore, #tpu.memory_space<semaphore_mem>>) src(%dma_wait3A_168 : memref<128x32xf32, #tpu.memory_space<hbm>>) dst(%dma_wait3A_165 : memref<128x32xf32, #tpu.memory_space<vmem>>)
    %dma_wait3A_169 = arith.constant 0 : i32
    %dma_wait3A_170 = arith.constant 4 : i32
    %dma_wait3A_171 = arith.constant 0 : i32
    %dma_wait3A_172 = arith.constant 4 : i32
    %dma_wait3A_173 = arith.constant 0 : i32
    %dma_wait3A_174 = arith.constant 0 : i32
    %dma_wait3A_175 = tpu.memref_slice %arg6[%dma_wait3A_169, %dma_wait3A_170, %dma_wait3A_173, %dma_wait3A_174] : memref<2x5x128x32xf32, #tpu.memory_space<vmem>> -> memref<1x1x128x32xf32, #tpu.memory_space<vmem>>
    %dma_wait3A_176 = tpu.memref_squeeze %dma_wait3A_175 : memref<1x1x128x32xf32, #tpu.memory_space<vmem>> -> memref<128x32xf32, #tpu.memory_space<vmem>>
    %dma_wait3A_177 = arith.constant 0 : i32
    %dma_wait3A_178 = arith.constant 0 : i32
    %dma_wait3A_179 = tpu.memref_slice %arg2[%dma_wait3A_177, %dma_wait3A_178] : memref<1000000x32xf32, #tpu.memory_space<hbm>> -> memref<128x32xf32, #tpu.memory_space<hbm>>
    %dma_wait3A_180 = tpu.memref_slice %arg8[%dma_wait3A_171, %dma_wait3A_172] : memref<2x5x!tpu.dma_semaphore, #tpu.memory_space<semaphore_mem>> -> memref<1x1x!tpu.dma_semaphore, #tpu.memory_space<semaphore_mem>>
    %dma_wait3A_181 = tpu.memref_squeeze %dma_wait3A_180 : memref<1x1x!tpu.dma_semaphore, #tpu.memory_space<semaphore_mem>> -> memref<!tpu.dma_semaphore, #tpu.memory_space<semaphore_mem>>
    %dma_wait3A_182 = arith.constant 0 : i32
    %dma_wait3A_183 = arith.constant 0 : i32
    %dma_wait3A_184 = tpu.memref_slice %arg6[%dma_wait3A_169, %dma_wait3A_170, %dma_wait3A_182, %dma_wait3A_183] : memref<2x5x128x32xf32, #tpu.memory_space<vmem>> -> memref<1x1x128x32xf32, #tpu.memory_space<vmem>>
    %dma_wait3A_185 = tpu.memref_squeeze %dma_wait3A_184 : memref<1x1x128x32xf32, #tpu.memory_space<vmem>> -> memref<128x32xf32, #tpu.memory_space<vmem>>
    %dma_wait3A_186 = arith.constant 0 : i32
    %dma_wait3A_187 = arith.constant 0 : i32
    %dma_wait3A_188 = tpu.memref_slice %arg2[%dma_wait3A_186, %dma_wait3A_187] : memref<1000000x32xf32, #tpu.memory_space<hbm>> -> memref<128x32xf32, #tpu.memory_space<hbm>>
    tpu.wait_dma2 semaphore(%dma_wait3A_181 : memref<!tpu.dma_semaphore, #tpu.memory_space<semaphore_mem>>) src(%dma_wait3A_188 : memref<128x32xf32, #tpu.memory_space<hbm>>) dst(%dma_wait3A_185 : memref<128x32xf32, #tpu.memory_space<vmem>>)
    %dma_wait3A_189 = arith.constant 1 : i32
    %dma_wait3A_190 = arith.constant 0 : i32
    %dma_wait3A_191 = arith.constant 1 : i32
    %dma_wait3A_192 = arith.constant 0 : i32
    %dma_wait3A_193 = arith.constant 0 : i32
    %dma_wait3A_194 = arith.constant 0 : i32
    %dma_wait3A_195 = tpu.memref_slice %arg6[%dma_wait3A_189, %dma_wait3A_190, %dma_wait3A_193, %dma_wait3A_194] : memref<2x5x128x32xf32, #tpu.memory_space<vmem>> -> memref<1x1x128x32xf32, #tpu.memory_space<vmem>>
    %dma_wait3A_196 = tpu.memref_squeeze %dma_wait3A_195 : memref<1x1x128x32xf32, #tpu.memory_space<vmem>> -> memref<128x32xf32, #tpu.memory_space<vmem>>
    %dma_wait3A_197 = arith.constant 0 : i32
    %dma_wait3A_198 = arith.constant 0 : i32
    %dma_wait3A_199 = tpu.memref_slice %arg2[%dma_wait3A_197, %dma_wait3A_198] : memref<1000000x32xf32, #tpu.memory_space<hbm>> -> memref<128x32xf32, #tpu.memory_space<hbm>>
    %dma_wait3A_200 = tpu.memref_slice %arg8[%dma_wait3A_191, %dma_wait3A_192] : memref<2x5x!tpu.dma_semaphore, #tpu.memory_space<semaphore_mem>> -> memref<1x1x!tpu.dma_semaphore, #tpu.memory_space<semaphore_mem>>
    %dma_wait3A_201 = tpu.memref_squeeze %dma_wait3A_200 : memref<1x1x!tpu.dma_semaphore, #tpu.memory_space<semaphore_mem>> -> memref<!tpu.dma_semaphore, #tpu.memory_space<semaphore_mem>>
    %dma_wait3A_202 = arith.constant 0 : i32
    %dma_wait3A_203 = arith.constant 0 : i32
    %dma_wait3A_204 = tpu.memref_slice %arg6[%dma_wait3A_189, %dma_wait3A_190, %dma_wait3A_202, %dma_wait3A_203] : memref<2x5x128x32xf32, #tpu.memory_space<vmem>> -> memref<1x1x128x32xf32, #tpu.memory_space<vmem>>
    %dma_wait3A_205 = tpu.memref_squeeze %dma_wait3A_204 : memref<1x1x128x32xf32, #tpu.memory_space<vmem>> -> memref<128x32xf32, #tpu.memory_space<vmem>>
    %dma_wait3A_206 = arith.constant 0 : i32
    %dma_wait3A_207 = arith.constant 0 : i32
    %dma_wait3A_208 = tpu.memref_slice %arg2[%dma_wait3A_206, %dma_wait3A_207] : memref<1000000x32xf32, #tpu.memory_space<hbm>> -> memref<128x32xf32, #tpu.memory_space<hbm>>
    tpu.wait_dma2 semaphore(%dma_wait3A_201 : memref<!tpu.dma_semaphore, #tpu.memory_space<semaphore_mem>>) src(%dma_wait3A_208 : memref<128x32xf32, #tpu.memory_space<hbm>>) dst(%dma_wait3A_205 : memref<128x32xf32, #tpu.memory_space<vmem>>)
    %dma_wait3A_209 = arith.constant 1 : i32
    %dma_wait3A_210 = arith.constant 1 : i32
    %dma_wait3A_211 = arith.constant 1 : i32
    %dma_wait3A_212 = arith.constant 1 : i32
    %dma_wait3A_213 = arith.constant 0 : i32
    %dma_wait3A_214 = arith.constant 0 : i32
    %dma_wait3A_215 = tpu.memref_slice %arg6[%dma_wait3A_209, %dma_wait3A_210, %dma_wait3A_213, %dma_wait3A_214] : memref<2x5x128x32xf32, #tpu.memory_space<vmem>> -> memref<1x1x128x32xf32, #tpu.memory_space<vmem>>
    %dma_wait3A_216 = tpu.memref_squeeze %dma_wait3A_215 : memref<1x1x128x32xf32, #tpu.memory_space<vmem>> -> memref<128x32xf32, #tpu.memory_space<vmem>>
    %dma_wait3A_217 = arith.constant 0 : i32
    %dma_wait3A_218 = arith.constant 0 : i32
    %dma_wait3A_219 = tpu.memref_slice %arg2[%dma_wait3A_217, %dma_wait3A_218] : memref<1000000x32xf32, #tpu.memory_space<hbm>> -> memref<128x32xf32, #tpu.memory_space<hbm>>
    %dma_wait3A_220 = tpu.memref_slice %arg8[%dma_wait3A_211, %dma_wait3A_212] : memref<2x5x!tpu.dma_semaphore, #tpu.memory_space<semaphore_mem>> -> memref<1x1x!tpu.dma_semaphore, #tpu.memory_space<semaphore_mem>>
    %dma_wait3A_221 = tpu.memref_squeeze %dma_wait3A_220 : memref<1x1x!tpu.dma_semaphore, #tpu.memory_space<semaphore_mem>> -> memref<!tpu.dma_semaphore, #tpu.memory_space<semaphore_mem>>
    %dma_wait3A_222 = arith.constant 0 : i32
    %dma_wait3A_223 = arith.constant 0 : i32
    %dma_wait3A_224 = tpu.memref_slice %arg6[%dma_wait3A_209, %dma_wait3A_210, %dma_wait3A_222, %dma_wait3A_223] : memref<2x5x128x32xf32, #tpu.memory_space<vmem>> -> memref<1x1x128x32xf32, #tpu.memory_space<vmem>>
    %dma_wait3A_225 = tpu.memref_squeeze %dma_wait3A_224 : memref<1x1x128x32xf32, #tpu.memory_space<vmem>> -> memref<128x32xf32, #tpu.memory_space<vmem>>
    %dma_wait3A_226 = arith.constant 0 : i32
    %dma_wait3A_227 = arith.constant 0 : i32
    %dma_wait3A_228 = tpu.memref_slice %arg2[%dma_wait3A_226, %dma_wait3A_227] : memref<1000000x32xf32, #tpu.memory_space<hbm>> -> memref<128x32xf32, #tpu.memory_space<hbm>>
    tpu.wait_dma2 semaphore(%dma_wait3A_221 : memref<!tpu.dma_semaphore, #tpu.memory_space<semaphore_mem>>) src(%dma_wait3A_228 : memref<128x32xf32, #tpu.memory_space<hbm>>) dst(%dma_wait3A_225 : memref<128x32xf32, #tpu.memory_space<vmem>>)
    %dma_wait3A_229 = arith.constant 1 : i32
    %dma_wait3A_230 = arith.constant 2 : i32
    %dma_wait3A_231 = arith.constant 1 : i32
    %dma_wait3A_232 = arith.constant 2 : i32
    %dma_wait3A_233 = arith.constant 0 : i32
    %dma_wait3A_234 = arith.constant 0 : i32
    %dma_wait3A_235 = tpu.memref_slice %arg6[%dma_wait3A_229, %dma_wait3A_230, %dma_wait3A_233, %dma_wait3A_234] : memref<2x5x128x32xf32, #tpu.memory_space<vmem>> -> memref<1x1x128x32xf32, #tpu.memory_space<vmem>>
    %dma_wait3A_236 = tpu.memref_squeeze %dma_wait3A_235 : memref<1x1x128x32xf32, #tpu.memory_space<vmem>> -> memref<128x32xf32, #tpu.memory_space<vmem>>
    %dma_wait3A_237 = arith.constant 0 : i32
    %dma_wait3A_238 = arith.constant 0 : i32
    %dma_wait3A_239 = tpu.memref_slice %arg2[%dma_wait3A_237, %dma_wait3A_238] : memref<1000000x32xf32, #tpu.memory_space<hbm>> -> memref<128x32xf32, #tpu.memory_space<hbm>>
    %dma_wait3A_240 = tpu.memref_slice %arg8[%dma_wait3A_231, %dma_wait3A_232] : memref<2x5x!tpu.dma_semaphore, #tpu.memory_space<semaphore_mem>> -> memref<1x1x!tpu.dma_semaphore, #tpu.memory_space<semaphore_mem>>
    %dma_wait3A_241 = tpu.memref_squeeze %dma_wait3A_240 : memref<1x1x!tpu.dma_semaphore, #tpu.memory_space<semaphore_mem>> -> memref<!tpu.dma_semaphore, #tpu.memory_space<semaphore_mem>>
    %dma_wait3A_242 = arith.constant 0 : i32
    %dma_wait3A_243 = arith.constant 0 : i32
    %dma_wait3A_244 = tpu.memref_slice %arg6[%dma_wait3A_229, %dma_wait3A_230, %dma_wait3A_242, %dma_wait3A_243] : memref<2x5x128x32xf32, #tpu.memory_space<vmem>> -> memref<1x1x128x32xf32, #tpu.memory_space<vmem>>
    %dma_wait3A_245 = tpu.memref_squeeze %dma_wait3A_244 : memref<1x1x128x32xf32, #tpu.memory_space<vmem>> -> memref<128x32xf32, #tpu.memory_space<vmem>>
    %dma_wait3A_246 = arith.constant 0 : i32
    %dma_wait3A_247 = arith.constant 0 : i32
    %dma_wait3A_248 = tpu.memref_slice %arg2[%dma_wait3A_246, %dma_wait3A_247] : memref<1000000x32xf32, #tpu.memory_space<hbm>> -> memref<128x32xf32, #tpu.memory_space<hbm>>
    tpu.wait_dma2 semaphore(%dma_wait3A_241 : memref<!tpu.dma_semaphore, #tpu.memory_space<semaphore_mem>>) src(%dma_wait3A_248 : memref<128x32xf32, #tpu.memory_space<hbm>>) dst(%dma_wait3A_245 : memref<128x32xf32, #tpu.memory_space<vmem>>)
    %dma_wait3A_249 = arith.constant 1 : i32
    %dma_wait3A_250 = arith.constant 3 : i32
    %dma_wait3A_251 = arith.constant 1 : i32
    %dma_wait3A_252 = arith.constant 3 : i32
    %dma_wait3A_253 = arith.constant 0 : i32
    %dma_wait3A_254 = arith.constant 0 : i32
    %dma_wait3A_255 = tpu.memref_slice %arg6[%dma_wait3A_249, %dma_wait3A_250, %dma_wait3A_253, %dma_wait3A_254] : memref<2x5x128x32xf32, #tpu.memory_space<vmem>> -> memref<1x1x128x32xf32, #tpu.memory_space<vmem>>
    %dma_wait3A_256 = tpu.memref_squeeze %dma_wait3A_255 : memref<1x1x128x32xf32, #tpu.memory_space<vmem>> -> memref<128x32xf32, #tpu.memory_space<vmem>>
    %dma_wait3A_257 = arith.constant 0 : i32
    %dma_wait3A_258 = arith.constant 0 : i32
    %dma_wait3A_259 = tpu.memref_slice %arg2[%dma_wait3A_257, %dma_wait3A_258] : memref<1000000x32xf32, #tpu.memory_space<hbm>> -> memref<128x32xf32, #tpu.memory_space<hbm>>
    %dma_wait3A_260 = tpu.memref_slice %arg8[%dma_wait3A_251, %dma_wait3A_252] : memref<2x5x!tpu.dma_semaphore, #tpu.memory_space<semaphore_mem>> -> memref<1x1x!tpu.dma_semaphore, #tpu.memory_space<semaphore_mem>>
    %dma_wait3A_261 = tpu.memref_squeeze %dma_wait3A_260 : memref<1x1x!tpu.dma_semaphore, #tpu.memory_space<semaphore_mem>> -> memref<!tpu.dma_semaphore, #tpu.memory_space<semaphore_mem>>
    %dma_wait3A_262 = arith.constant 0 : i32
    %dma_wait3A_263 = arith.constant 0 : i32
    %dma_wait3A_264 = tpu.memref_slice %arg6[%dma_wait3A_249, %dma_wait3A_250, %dma_wait3A_262, %dma_wait3A_263] : memref<2x5x128x32xf32, #tpu.memory_space<vmem>> -> memref<1x1x128x32xf32, #tpu.memory_space<vmem>>
    %dma_wait3A_265 = tpu.memref_squeeze %dma_wait3A_264 : memref<1x1x128x32xf32, #tpu.memory_space<vmem>> -> memref<128x32xf32, #tpu.memory_space<vmem>>
    %dma_wait3A_266 = arith.constant 0 : i32
    %dma_wait3A_267 = arith.constant 0 : i32
    %dma_wait3A_268 = tpu.memref_slice %arg2[%dma_wait3A_266, %dma_wait3A_267] : memref<1000000x32xf32, #tpu.memory_space<hbm>> -> memref<128x32xf32, #tpu.memory_space<hbm>>
    tpu.wait_dma2 semaphore(%dma_wait3A_261 : memref<!tpu.dma_semaphore, #tpu.memory_space<semaphore_mem>>) src(%dma_wait3A_268 : memref<128x32xf32, #tpu.memory_space<hbm>>) dst(%dma_wait3A_265 : memref<128x32xf32, #tpu.memory_space<vmem>>)
    %dma_wait3A_269 = arith.constant 1 : i32
    %dma_wait3A_270 = arith.constant 4 : i32
    %dma_wait3A_271 = arith.constant 1 : i32
    %dma_wait3A_272 = arith.constant 4 : i32
    %dma_wait3A_273 = arith.constant 0 : i32
    %dma_wait3A_274 = arith.constant 0 : i32
    %dma_wait3A_275 = tpu.memref_slice %arg6[%dma_wait3A_269, %dma_wait3A_270, %dma_wait3A_273, %dma_wait3A_274] : memref<2x5x128x32xf32, #tpu.memory_space<vmem>> -> memref<1x1x128x32xf32, #tpu.memory_space<vmem>>
    %dma_wait3A_276 = tpu.memref_squeeze %dma_wait3A_275 : memref<1x1x128x32xf32, #tpu.memory_space<vmem>> -> memref<128x32xf32, #tpu.memory_space<vmem>>
    %dma_wait3A_277 = arith.constant 0 : i32
    %dma_wait3A_278 = arith.constant 0 : i32
    %dma_wait3A_279 = tpu.memref_slice %arg2[%dma_wait3A_277, %dma_wait3A_278] : memref<1000000x32xf32, #tpu.memory_space<hbm>> -> memref<128x32xf32, #tpu.memory_space<hbm>>
    %dma_wait3A_280 = tpu.memref_slice %arg8[%dma_wait3A_271, %dma_wait3A_272] : memref<2x5x!tpu.dma_semaphore, #tpu.memory_space<semaphore_mem>> -> memref<1x1x!tpu.dma_semaphore, #tpu.memory_space<semaphore_mem>>
    %dma_wait3A_281 = tpu.memref_squeeze %dma_wait3A_280 : memref<1x1x!tpu.dma_semaphore, #tpu.memory_space<semaphore_mem>> -> memref<!tpu.dma_semaphore, #tpu.memory_space<semaphore_mem>>
    %dma_wait3A_282 = arith.constant 0 : i32
    %dma_wait3A_283 = arith.constant 0 : i32
    %dma_wait3A_284 = tpu.memref_slice %arg6[%dma_wait3A_269, %dma_wait3A_270, %dma_wait3A_282, %dma_wait3A_283] : memref<2x5x128x32xf32, #tpu.memory_space<vmem>> -> memref<1x1x128x32xf32, #tpu.memory_space<vmem>>
    %dma_wait3A_285 = tpu.memref_squeeze %dma_wait3A_284 : memref<1x1x128x32xf32, #tpu.memory_space<vmem>> -> memref<128x32xf32, #tpu.memory_space<vmem>>
    %dma_wait3A_286 = arith.constant 0 : i32
    %dma_wait3A_287 = arith.constant 0 : i32
    %dma_wait3A_288 = tpu.memref_slice %arg2[%dma_wait3A_286, %dma_wait3A_287] : memref<1000000x32xf32, #tpu.memory_space<hbm>> -> memref<128x32xf32, #tpu.memory_space<hbm>>
    tpu.wait_dma2 semaphore(%dma_wait3A_281 : memref<!tpu.dma_semaphore, #tpu.memory_space<semaphore_mem>>) src(%dma_wait3A_288 : memref<128x32xf32, #tpu.memory_space<hbm>>) dst(%dma_wait3A_285 : memref<128x32xf32, #tpu.memory_space<vmem>>)
    return
  }
}

</mosaic_0001>

<sc_bundles>
// kernel: kernel.3.cloned.1.call-start
scs
__scs_entry_jumppad:
0x0: {  	(pc) =	sbr.rel $0x88, $3  }
0x1: {  	(tag) =	ssettag $0x0;
	lr =	simm.s32 $0x1  }
0x2: {  	[smem:$0x3F9F] =	sst lr;
	_ =	strace $0xD0000000  }
0x3: {  	_ = 	snop  }
0x4: {  	_ = 	snop  }
0x5: {  	_ = 	snop  }
0x6: {  	_ = 	snop  }
0x7: {  	_ = 	snop  }
__scs_overlays_trampoline_lowered:
0x8: {  	[smem:$0x3FAE] =	sst s0  }
0x9: {  	[smem:$0x3FAF] =	sst s1  }
0xa: {  	[smem:$0x3FB0] =	sst s2  }
0xb: {  	[smem:$0x3FB1] =	sst s3  }
0xc: {  	[smem:$0x3FB2] =	sst s4  }
0xd: {  	[smem:$0x3FB3] =	sst s5  }
0xe: {  	[smem:$0x3FB4] =	sst s6  }
0xf: {  	[smem:$0x3FB5] =	sst s7  }
0x10: {  	[smem:$0x3FB6] =	sst s8  }
0x11: {  	[smem:$0x3FB7] =	sst s9;
	s0 =	simm.s32 @!p0 $0x0  }
0x12: {  	s1 =	sld [smem:$0x3F9D];
	s0 =	simm.s32 @p0 $0x1  }
0x13: {  	[smem:$0x3FB8] =	sst s0;
	s0 =	simm.s32 @!p1 $0x0  }
0x14: {  	s2 =	sld [smem:$0x3F9C];
	s0 =	simm.s32 @p1 $0x1  }
0x15: {  	[smem:$0x3FB9] =	sst s0;
	s0 =	simm.s32 @!p2 $0x0  }
0x16: {  	s3 =	sld [smem:$0x3FDB];
	s0 =	simm.s32 @p2 $0x1  }
0x17: {  	s4 =	simm.s32 $0x1BF5;
	[smem:$0x3FBB] =	sst s0  }
0x18: {  	s0 =	sld [smem:$0x3F9E];
	_ =	swait.ge [sflag:s4], $0x0  }
0x19: {  	s7 =	sld [smem:$0x3F9F]  }
0x1a: {  	s8 =	sadd.s32 $0xFFFFE003, lr  }
0x1b: {  	s9 =	sadd.s32 $0xFFFFFEF7, lr;
	s5 =	simm.s32 $0xFFFFFFFF;
	p2 =	slt.u32 s8, $0xFFFFF086  }
0x1c: {  	p1 =	slt.u32 s9, $0xF7A;
	s5 =	simm.s32 @!p2 $0x0  }
0x1d: {  	s5 =	simm.s32 @p1 $0x1;
	p0 =	seq.s32 s7, s2  }
0x1e: {  	s7 =	smul.u32 @!p0 $0xF7A, s2;
	p2 =	seq.s32 @!p0 s5, $0x0  }
0x1f: {  	s9 =	smul.u32 $0xF7A, s1;
	s8 =	simm.s32 @!p0 $0x1BF5;
	p2 =	por !p2, p0  }
0x20: {  	[sflag:s8] =	ssyncset.s32 @!p0 $0xFFFFF086;
	s6 =	sadd.s32 @!p0 s3, s7;
	s7 =	simm.s32 @!p0 $0x108  }
0x21: {  	s3 =	sadd.s32 s3, s9;
	s6 =	sadd.s32 @!p0 $0x88, s6;
	s7 =	simm.s32 @p2 $0x1082  }
0x22: {  	[simem:s7], [sflag:s8] =	dma.local @!p0 [hbm:s6], $0xF7A  }
0x23: {  	s9 =	sor.u32 $0xD0000000, s2;
	s6 =	simm.s32 $0x108;
	_ =	swait.ge @!p0 [sflag:s8], $0x0  }
0x24: {  	s3 =	sadd.s32 $0x88, s3;
	s6 =	simm.s32 @!p1 $0x1082;
	[sflag:s4] =	ssyncset.s32 $0xFFFFF086  }
0x25: {  	[simem:s6], [sflag:s4] =	dma.local [hbm:s3], $0xF7A  }
0x26: {  	[smem:$0x3F9F] =	sst s1;
	(tag) =	ssettag s2;
	_ =	strace s9  }
0x27: {  	s1 =	sld [smem:$0x3FAF]  }
0x28: {  	s2 =	sld [smem:$0x3FB0]  }
0x29: {  	s4 =	sld [smem:$0x3FB2]  }
0x2a: {  	p0 =	seq.s32 s5, $0x0;
	s5 =	sld [smem:$0x3FB3]  }
0x2b: {  	s6 =	sld [smem:$0x3FB4]  }
0x2c: {  	s7 =	sld [smem:$0x3FB5]  }
0x2d: {  	s3 =	simm.s32 $0x108;
	s8 =	sld [smem:$0x3FB6]  }
0x2e: {  	s3 =	simm.s32 @!p0 $0x1082;
	s9 =	sld [smem:$0x3FB7]  }
0x2f: {  	lr =	sadd.s32 s0, s3;
	s0 =	sld [smem:$0x3FAE]  }
0x30: {  	s3 =	sld [smem:$0x3FB1]  }
0x31: {  	[smem:$0x3FBA] =	sst s10  }
0x32: {  	s10 =	sld [smem:$0x3FB8];
	_ =	sdelay $0x3  }
0x33: {  	p0 =	seq.s32 s10, $0x1;
	s10 =	sld [smem:$0x3FBA];
	_ =	sdelay $0x3  }
0x34: {  	[smem:$0x3FBA] =	sst s10  }
0x35: {  	s10 =	sld [smem:$0x3FB9];
	_ =	sdelay $0x3  }
0x36: {  	p1 =	seq.s32 s10, $0x1;
	s10 =	sld [smem:$0x3FBA];
	_ =	sdelay $0x3  }
0x37: {  	[smem:$0x3FBA] =	sst s10  }
0x38: {  	s10 =	sld [smem:$0x3FBB]  }
0x39: {  	_ = 	snop;
	(pc) =	sbr.ind lr, $3  }
0x3a: {  	_ = 	snop  }
0x3b: {  	_ = 	snop  }
0x3c: {  	p2 =	seq.s32 s10, $0x1;
	s10 =	sld [smem:$0x3FBA]  }
0x3d: {  	_ =	shalt  }
0x3e: {  	_ =	shalt  }
0x3f: {  	_ =	shalt  }
0x40: {  	_ =	shalt  }
0x41: {  	_ =	shalt  }
0x42: {  	_ =	shalt  }
0x43: {  	_ =	shalt  }
0x44: {  	_ =	shalt  }
0x45: {  	_ =	shalt  }
0x46: {  	_ =	shalt  }
0x47: {  	_ =	shalt  }
0x48: {  	_ =	shalt  }
0x49: {  	_ =	shalt  }
0x4a: {  	_ =	shalt  }
0x4b: {  	_ =	shalt  }
0x4c: {  	_ =	shalt  }
0x4d: {  	_ =	shalt  }
0x4e: {  	_ =	shalt  }
0x4f: {  	_ =	shalt  }
0x50: {  	_ =	shalt  }
0x51: {  	_ =	shalt  }
0x52: {  	_ =	shalt  }
0x53: {  	_ =	shalt  }
0x54: {  	_ =	shalt  }
0x55: {  	_ =	shalt  }
0x56: {  	_ =	shalt  }
0x57: {  	_ =	shalt  }
0x58: {  	_ =	shalt  }
0x59: {  	_ =	shalt  }
0x5a: {  	_ =	shalt  }
0x5b: {  	_ =	shalt  }
0x5c: {  	_ =	shalt  }
0x5d: {  	_ =	shalt  }
0x5e: {  	_ =	shalt  }
0x5f: {  	_ =	shalt  }
0x60: {  	_ =	shalt  }
0x61: {  	_ =	shalt  }
0x62: {  	_ =	shalt  }
0x63: {  	_ =	shalt  }
0x64: {  	_ =	shalt  }
0x65: {  	_ =	shalt  }
0x66: {  	_ =	shalt  }
0x67: {  	_ =	shalt  }
0x68: {  	_ =	shalt  }
0x69: {  	_ =	shalt  }
0x6a: {  	_ =	shalt  }
0x6b: {  	_ =	shalt  }
0x6c: {  	_ =	shalt  }
0x6d: {  	_ =	shalt  }
0x6e: {  	_ =	shalt  }
0x6f: {  	_ =	shalt  }
0x70: {  	_ =	shalt  }
0x71: {  	_ =	shalt  }
0x72: {  	_ =	shalt  }
0x73: {  	_ =	shalt  }
0x74: {  	_ =	shalt  }
0x75: {  	_ =	shalt  }
0x76: {  	_ =	shalt  }
0x77: {  	_ =	shalt  }
0x78: {  	_ =	shalt  }
0x79: {  	_ =	shalt  }
0x7a: {  	_ =	shalt  }
0x7b: {  	_ =	shalt  }
0x7c: {  	_ =	shalt  }
0x7d: {  	_ =	shalt  }
0x7e: {  	_ =	shalt  }
0x7f: {  	_ =	shalt  }
0x80: {  	_ =	shalt  }
0x81: {  	_ =	shalt  }
0x82: {  	_ =	shalt  }
0x83: {  	_ =	shalt  }
0x84: {  	_ =	shalt  }
0x85: {  	_ =	shalt  }
0x86: {  	_ =	shalt  }
0x87: {  	_ =	shalt  }
.Lfunc_end0:
.L_simem_size_0:
called_computation.1_lowered:
.L_overlay_start_0:
0x88: {  	s2 =	sld [smem:$0x3FD9]  }
0x89: {  	s3 =	sld [smem:$0x3FFE];
	_ =	sdelay $0x1  }
0x8a: {  	s1 =	srdreg.scid  }
0x8b: {  	s0 =	sand.u32 $0x1, s1  }
0x8c: {  	s17 =	sshll.u32 s0, $0xA;
	s2 =	sadd.s32 s3, s2  }
0x8d: {  	s2 =	sadd.s32 s2, s17  }
0x8e: {  	[smem:$0x3FC6] =	sst s2  }
0x8f: {  	_ = 	snop  }
0x90: {  	s2 =	sld [smem:$0x3FD0];
	(tm) =	ssettm $0x1  }
0x91: {  	s18 =	sld [smem:$0x3FFB];
	_ =	sdelay $0x3  }
0x92: {  	_ =	strace s18  }
0x93: {  	s3 =	sld [smem:$0x3FFC];
	_ =	sdelay $0x3  }
0x94: {  	_ =	strace s3  }
0x95: {  	s3 =	sld [smem:$0x3FFD];
	_ =	sdelay $0x3  }
0x96: {  	_ =	strace s3  }
0x97: {  	_ =	strace $0x8FFFFFFF  }
0x98: {  	s19 =	sld [smem:$0x3FDB];
	_ =	sdelay $0x1  }
0x99: {  	s4 =	simm.s32 $_scs_section_size  }
0x9a: {  	s5 =	simm.s32 $_size__tile_overlayer_lowered;
	s6 =	simm.s32 $_tile_overlayer_lowered  }
0x9b: {  	s22 =	simm.s32 $0x1BFF;
	s21 =	sshll.u32 s6, $0x1;
	s3 =	sadd.s32 s4, s19  }
0x9c: {  	s7 =	simm.s32 $0x0;
	s20 =	sshll.u32 s5, $0x1;
	s5 =	sadd.s32 s21, s3  }
0x9d: {  	[timem:s7], [sflag:s22] =	dma.local [hbm:s5], s20  }
0x9e: {  	_ =	swait.ge [sflag:s22], s20  }
0x9f: {  	s4 =	ssub.s32 $0x0, s20;
	[sflag:s22] =	ssyncset.done $0x0  }
0xa0: {  	[sflag:s22] =	ssyncadd.s32 s4;
	_ =	sdelay $0x1  }
0xa1: {  	s23 =	simm.s32 $0x1B8B  }
0xa2: {  	_ =	swait.ge [sflag:s23], $0x1  }
0xa3: {  	[sflag:s23] =	ssyncset.done $0x0  }
0xa4: {  	s25 =	simm.s32 $0x1B8E;
	s24 =	sld [smem:$0x3FFE];
	[sflag:s23] =	ssyncadd.s32 $0xFFFFFFFF  }
0xa5: {  	s26 =	simm.s32 $execute0_lowered;
	[smem:$0x3FD2] =	sst s25  }
0xa6: {  	s5 =	sshll.u32 s26, $0x1;
	_ =	strace $0x80000046;
	[dreg:$0x1] =	wrdreg $0xFFFFFFFF  }
0xa7: {  	s28 =	simm.s32 $_size_execute0_lowered;
	s3 =	sadd.s32 s3, s5;
	[dreg:$0x0] =	wrdreg $0x0  }
0xa8: {  	s5 =	sshll.u32 s28, $0x1;
	[dreg:$0x2] =	wrdreg s3  }
0xa9: {  	[dreg:$0x3] =	wrdreg s5  }
0xaa: {  	[dreg:$0x4] =	wrdreg $0xC0  }
0xab: {  	_ =	task [dreg:s7], $0x5FFFF  }
0xac: {  	[dreg:$0x1] =	wrdreg $0xFFFFFFFF  }
0xad: {  	[dreg:$0x0] =	wrdreg $0x60  }
0xae: {  	[dreg:$0x2] =	wrdreg s24  }
0xaf: {  	[dreg:$0x3] =	wrdreg s2  }
0xb0: {  	[dreg:$0x4] =	wrdreg $0x9  }
0xb1: {  	_ =	task.clear_ibuf [dreg:s7], $0x5FFFF;
	_ =	strace $0x90000046  }
0xb2: {  	s29 =	simm.s32 $0x9;
	_ =	strace $0x80000048  }
0xb3: {  	_ =	swait.ge [sflag:s29], $0x1  }
0xb4: {  	[sflag:s29] =	ssyncadd.s32 $0xFFFFFFFF  }
0xb5: {  	_ =	strace $0x90000048  }
0xb6: {  	_ =	sfence  }
0xb7: {  	s30 =	sld [smem:$0x0];
	_ =	sdelay $0x2  }
0xb8: {  	s31 =	sshll.u32 s1, $0xD;
	s1 =	sshrl.u32 s1, $0x2  }
0xb9: {  	s3 =	sand.u32 $0x4000, s31;
	s1 =	sadd.s32 s1, s30  }
0xba: {  	s0 =	sor.u32 s3, s0;
	s1 =	sshll.u32 s1, $0x11  }
0xbb: {  	s0 =	sor.u32 s1, s0  }
0xbc: {  	s0 =	sadd.s32 $0x8F2B, s0  }
0xbd: {  	[sflag:s0] =	ssyncadd.remote.s32 $0x1  }
0xbe: {  	_ =	sfence.sel $0xFFFF  }
0xbf: {  	[dreg:$0x0] =	wrdreg $0xFFFFFFFF;
	(pc) =	sbr.abs _section_cstart, $3  }
0xc0: {  	[dreg:$0x1] =	wrdreg $0xFFFFFFFF  }
0xc1: {  	_ =	task.clear_ibuf [dreg:s7], $0x2FFFF;
	_ =	strace $0x9FFFFFFF  }
0xc2: {  	(tm) =	ssettm $0x7FFFFFFF  }
0xc3: {  	_ =	shalt  }
tec
execute0_lowered:
.L_overlay_start_1:
0x0: {  	(tag) =	ssettag $0x1  }
0x1: {  	s0 =	rddreg [dreg:$0x0]  }
0x2: {  	s1 =	rddreg [dreg:$0x1];
	s2 =	simm.s32 $0x0;
	s3 =	srdreg.scid  }
0x3: {  	s5 =	stileid.u32;
	s30 =	simm.s32 $0xC400;
	s31 =	simm.s32 $0xE400  }
0x4: {  	s28 =	simm.s32 $0x8;
	s29 =	simm.s32 $0xA;
	s4 =	sand.u32 $0x1, s3  }
0x5: {  	s6 =	sshll.u32 s5, $0x1;
	s5 =	smul.u32 $0x190000, s5;
	[smem:$0x7FF] =	sst s2  }
0x6: {  	s3 =	sor.u32 s4, s6;
	s6 =	smul.u32 $0xC8000, s4;
	_ =	strace $0x80000047  }
0x7: {  	s4 =	ssub.s32 $0x2, s4;
	[dreg:$0xb] =	wrdreg s30;
	s7 =	smul.u32 $0xC80, s3  }
0x8: {  	[dreg:$0xc] =	wrdreg s31;
	s3 =	sadd.s32 $0xF42E00, s0;
	s5 =	sadd.s32 s6, s5  }
0x9: {  	s0 =	sadd.s32 s7, s0;
	s7 =	sshrl.u32 s4, $0x1;
	s8 =	sor.u32 $0x4000, s5  }
0xa: {  	s10 =	sor.u32 $0x3000, s5;
	s12 =	sor.u32 $0x2000, s5;
	s13 =	sor.u32 $0x1000, s5  }
0xb: {  	s17 =	sshrl.u32 s5, $0x3;
	s19 =	sadd.s32 $0x8000, s5;
	s21 =	sadd.s32 $0x9000, s5  }
0xc: {  	s22 =	sor.u32 $0x6000, s5;
	s23 =	sor.u32 $0x7000, s5;
	s5 =	sor.u32 $0x5000, s5  }
0xd: {  	s4 =	ssub.s32 s4, s7;
	s0 =	sadd.s32 $0xA00, s0;
	s9 =	sshrl.u32 s8, $0x3  }
0xe: {  	s11 =	sshrl.u32 s10, $0x3;
	s15 =	sshrl.u32 s13, $0x3;
	s18 =	sadd.s32 s17, s1  }
0xf: {  	s20 =	sshrl.u32 s19, $0x3;
	s7 =	sshrl.u32 s23, $0x3;
	s5 =	sshrl.u32 s5, $0x3  }
0x10: {  	s25 =	sshrl.u32 s22, $0x3;
	s8 =	simm.s32 $0x6400;
	s10 =	simm.s32 $0x7400  }
0x11: {  	s17 =	simm.s32 $0xA400;
	s19 =	simm.s32 $0xB400;
	s22 =	simm.s32 $0xD400  }
0x12: {  	s23 =	simm.s32 $0x4;
	[dreg:$0xd] =	wrdreg s0;
	s4 =	smax.u32 s4, $0x1  }
0x13: {  	s0 =	sadd.s32 s9, s1;
	s16 =	sadd.s32 s15, s1;
	[dreg:$0x7] =	wrdreg s18  }
0x14: {  	s24 =	sadd.s32 s7, s1;
	s26 =	sadd.s32 s5, s1;
	s6 =	sadd.s32 s20, s1  }
0x15: {  	s7 =	sadd.s32 s25, s1;
	s9 =	simm.s32 $0x80;
	[dreg:$0xe] =	wrdreg s4  }
0x16: {  	s15 =	simm.s32 $0x9400;
	s18 =	simm.s32 $0x1;
	[dreg:$0x3] =	wrdreg s0  }
0x17: {  	s20 =	simm.s32 $0x2;
	s25 =	simm.s32 $0xF400;
	[dreg:$0x6] =	wrdreg s16  }
0x18: {  	s0 =	sadd.s32 s11, s1;
	s4 =	sshrl.u32 s12, $0x3;
	[dreg:$0x9] =	wrdreg s24  }
0x19: {  	[dreg:$0xa] =	wrdreg s26;
	s11 =	simm.s32 $0x8400;
	s24 =	simm.s32 $0x5  }
0x1a: {  	[dreg:$0x4] =	wrdreg s0;
	s14 =	sadd.s32 s4, s1;
	s4 =	sshrl.u32 s21, $0x3  }
0x1b: {  	s26 =	simm.s32 $0x6;
	[dreg:$0x5] =	wrdreg s14;
	s4 =	sadd.s32 s4, s1  }
0x1c: {  	s21 =	simm.s32 $0x3;
	[dreg:$0x8] =	wrdreg s4;
	s4 =	simm.s32 $0x0  }
.LBB2_1:
0x1d: {  	[dreg:$0xf] =	wrdreg s4  }
0x1e: {  	s0 =	rddreg [dreg:$0xd];
	s14 =	simm.s32 $0x15  }
0x1f: {  	[tilespmem:s2], [sflag:$0x15] =	stream.linear.gather [hbm4b:s0+s2], $0x6400, $0x38;
	[tilespmem:$0x10400] =	vst v63  }
0x20: {  	_ =	swait.ge [sflag:s14], $0x6400  }
0x21: {  	[sflag:s14] =	ssyncset.done $0x0  }
0x22: {  	[sflag:s14] =	ssyncadd.s32 $0xFFFF9C00  }
0x23: {  	[tilespmem:s8], [sflag:$0x1] =	stream.indirect.gather [hbm4b:s3+s9], $0x20, s2, s9, $0xb8;
	[tilespmem:$0x10400] =	vst v63  }
0x24: {  	_ = 	snop  }
0x25: {  	[tilespmem:s10], [sflag:$0x2] =	stream.indirect.gather [hbm4b:s3+s9], $0x20, s9, s9, $0xb8;
	[tilespmem:$0x10400] =	vst v63  }
0x26: {  	s16 =	simm.s32 $0x100  }
0x27: {  	[tilespmem:s11], [sflag:$0x3] =	stream.indirect.gather [hbm4b:s3+s9], $0x20, s16, s9, $0xb8;
	[tilespmem:$0x10400] =	vst v63  }
0x28: {  	s30 =	simm.s32 $0x180  }
0x29: {  	[tilespmem:s15], [sflag:$0x4] =	stream.indirect.gather [hbm4b:s3+s9], $0x20, s30, s9, $0xb8;
	[tilespmem:$0x10400] =	vst v63  }
0x2a: {  	s1 =	simm.s32 $0x200  }
0x2b: {  	[tilespmem:s17], [sflag:$0x5] =	stream.indirect.gather [hbm4b:s3+s9], $0x20, s1, s9, $0xb8;
	[tilespmem:$0x10400] =	vst v63  }
0x2c: {  	_ =	swait.ge [sflag:s18], $0x1000  }
0x2d: {  	p0 =	por $0x1, $0x1;
	s4 =	rddreg [dreg:$0x7];
	[sflag:s18] =	ssyncset.done $0x0  }
0x2e: {  	s1 =	simm.s32 @!p0 $0x10;
	[sflag:s18] =	ssyncadd.s32 $0xFFFFF000;
	s0 =	sadd.s32 $0x0, s4  }
0x2f: {  	[hbm4b:s0+s2] =	stream.linear.scatter [tilespmem:s8], [sflag:$0xB], $0x1000, $0x38;
	[tilespmem:$0x10400] =	vst v63  }
0x30: {  	_ =	swait.ge @!p0 [sflag:s1], $0x1000  }
0x31: {  	[sflag:s1] =	ssyncset.done @!p0 $0x0  }
0x32: {  	s5 =	simm.s32 $0x280;
	[sflag:s1] =	ssyncadd.s32 @!p0 $0xFFFFF000  }
0x33: {  	[tilespmem:s19], [sflag:$0x6] =	stream.indirect.gather [hbm4b:s3+s9], $0x20, s5, s9, $0xb8;
	[tilespmem:$0x10400] =	vst v63  }
0x34: {  	_ =	swait.ge [sflag:s20], $0x1000  }
0x35: {  	s12 =	rddreg [dreg:$0x6];
	[sflag:s20] =	ssyncset.done $0x0  }
0x36: {  	s1 =	simm.s32 @!p0 $0x11;
	[sflag:s20] =	ssyncadd.s32 $0xFFFFF000;
	s0 =	sadd.s32 $0x0, s12  }
0x37: {  	[hbm4b:s0+s2] =	stream.linear.scatter [tilespmem:s10], [sflag:$0xC], $0x1000, $0x38;
	[tilespmem:$0x10400] =	vst v63  }
0x38: {  	_ =	swait.ge @!p0 [sflag:s1], $0x1000  }
0x39: {  	[sflag:s1] =	ssyncset.done @!p0 $0x0  }
0x3a: {  	s14 =	simm.s32 $0x300;
	s13 =	rddreg [dreg:$0xb];
	[sflag:s1] =	ssyncadd.s32 @!p0 $0xFFFFF000  }
0x3b: {  	[tilespmem:s13], [sflag:$0x7] =	stream.indirect.gather [hbm4b:s3+s9], $0x20, s14, s9, $0xb8;
	[tilespmem:$0x10400] =	vst v63  }
0x3c: {  	_ =	swait.ge [sflag:s21], $0x1000  }
0x3d: {  	s16 =	rddreg [dreg:$0x5];
	[sflag:s21] =	ssyncset.done $0x0  }
0x3e: {  	s1 =	simm.s32 @!p0 $0x12;
	[sflag:s21] =	ssyncadd.s32 $0xFFFFF000;
	s0 =	sadd.s32 $0x0, s16  }
0x3f: {  	[hbm4b:s0+s2] =	stream.linear.scatter [tilespmem:s11], [sflag:$0xD], $0x1000, $0x38;
	[tilespmem:$0x10400] =	vst v63  }
0x40: {  	_ =	swait.ge @!p0 [sflag:s1], $0x1000  }
0x41: {  	[sflag:s1] =	ssyncset.done @!p0 $0x0  }
0x42: {  	s30 =	simm.s32 $0x380;
	[sflag:s1] =	ssyncadd.s32 @!p0 $0xFFFFF000  }
0x43: {  	[tilespmem:s22], [sflag:$0x8] =	stream.indirect.gather [hbm4b:s3+s9], $0x20, s30, s9, $0xb8;
	[tilespmem:$0x10400] =	vst v63  }
0x44: {  	_ =	swait.ge [sflag:s23], $0x1000  }
0x45: {  	s1 =	rddreg [dreg:$0x4];
	[sflag:s23] =	ssyncset.done $0x0  }
0x46: {  	[sflag:s23] =	ssyncadd.s32 $0xFFFFF000;
	s0 =	sadd.s32 $0x0, s1;
	s1 =	simm.s32 @!p0 $0x13  }
0x47: {  	[hbm4b:s0+s2] =	stream.linear.scatter [tilespmem:s15], [sflag:$0xE], $0x1000, $0x38;
	[tilespmem:$0x10400] =	vst v63  }
0x48: {  	_ =	swait.ge @!p0 [sflag:s1], $0x1000  }
0x49: {  	[sflag:s1] =	ssyncset.done @!p0 $0x0  }
0x4a: {  	s5 =	simm.s32 $0x400;
	s4 =	rddreg [dreg:$0xc];
	[sflag:s1] =	ssyncadd.s32 @!p0 $0xFFFFF000  }
0x4b: {  	[tilespmem:s4], [sflag:$0x9] =	stream.indirect.gather [hbm4b:s3+s9], $0x20, s5, s9, $0xb8;
	[tilespmem:$0x10400] =	vst v63  }
0x4c: {  	_ =	swait.ge [sflag:s24], $0x1000  }
0x4d: {  	s12 =	rddreg [dreg:$0x3];
	[sflag:s24] =	ssyncset.done $0x0  }
0x4e: {  	s1 =	simm.s32 @!p0 $0x14;
	[sflag:s24] =	ssyncadd.s32 $0xFFFFF000;
	s0 =	sadd.s32 $0x0, s12  }
0x4f: {  	[hbm4b:s0+s2] =	stream.linear.scatter [tilespmem:s17], [sflag:$0xF], $0x1000, $0x38;
	[tilespmem:$0x10400] =	vst v63  }
0x50: {  	_ =	swait.ge @!p0 [sflag:s1], $0x1000  }
0x51: {  	[sflag:s1] =	ssyncset.done @!p0 $0x0  }
0x52: {  	s13 =	simm.s32 $0x480;
	[sflag:s1] =	ssyncadd.s32 @!p0 $0xFFFFF000  }
0x53: {  	[tilespmem:s25], [sflag:$0xA] =	stream.indirect.gather [hbm4b:s3+s9], $0x20, s13, s9, $0xb8;
	[tilespmem:$0x10400] =	vst v63  }
0x54: {  	_ =	swait.ge [sflag:s26], $0x1000  }
0x55: {  	p1 =	por $0x0, $0x0;
	s14 =	rddreg [dreg:$0xa];
	[sflag:s26] =	ssyncset.done $0x0  }
0x56: {  	s1 =	simm.s32 @p1 $0x7;
	[sflag:s26] =	ssyncadd.s32 $0xFFFFF000;
	s0 =	sadd.s32 $0x0, s14  }
0x57: {  	[hbm4b:s0+s2] =	stream.linear.scatter [tilespmem:s19], [sflag:$0x10], $0x1000, $0x38;
	[tilespmem:$0x10400] =	vst v63  }
0x58: {  	_ =	swait.ge @p1 [sflag:s1], $0x1000  }
0x59: {  	s4 =	sadd.s32 @p1 $0x0, s7;
	s5 =	simm.s32 @p1 $0x0;
	[sflag:s1] =	ssyncset.done @p1 $0x0  }
0x5a: {  	s0 =	simm.s32 @p1 $0xC400;
	[sflag:s1] =	ssyncadd.s32 @p1 $0xFFFFF000;
	s1 =	simm.s32 @!p1 $0xB  }
0x5b: {  	[hbm4b:s4+s5] =	stream.linear.scatter @p1 [tilespmem:s0], [sflag:$0x11], $0x1000, $0x38;
	[tilespmem:$0x10400] =	vst v63  }
0x5c: {  	_ =	swait.ge @!p1 [sflag:s1], $0x1000  }
0x5d: {  	s12 =	simm.s32 @!p1 $0x80;
	s0 =	simm.s32 @!p1 $0x500;
	[sflag:s1] =	ssyncset.done @!p1 $0x0  }
0x5e: {  	s4 =	simm.s32 @!p1 $0x6400;
	[sflag:s1] =	ssyncadd.s32 @!p1 $0xFFFFF000;
	s1 =	simm.s32 @!p1 $0x7  }
0x5f: {  	[tilespmem:s4], [sflag:$0x1] =	stream.indirect.gather @!p1 [hbm4b:s3+s12], $0x20, s0, s12, $0xb8;
	[tilespmem:$0x10400] =	vst v63  }
0x60: {  	_ =	swait.ge @!p1 [sflag:s1], $0x1000  }
0x61: {  	s14 =	simm.s32 @!p1 $0x0;
	s0 =	simm.s32 @!p1 $0xC400;
	[sflag:s1] =	ssyncset.done @!p1 $0x0  }
0x62: {  	s4 =	sadd.s32 @!p1 $0x0, s7;
	[sflag:s1] =	ssyncadd.s32 @!p1 $0xFFFFF000;
	s1 =	simm.s32 @!p1 $0xC  }
0x63: {  	[hbm4b:s4+s14] =	stream.linear.scatter @!p1 [tilespmem:s0], [sflag:$0x11], $0x1000, $0x38;
	[tilespmem:$0x10400] =	vst v63  }
0x64: {  	_ =	swait.ge @!p1 [sflag:s1], $0x1000  }
0x65: {  	[sflag:s1] =	ssyncset.done @!p1 $0x0  }
0x66: {  	s0 =	simm.s32 @!p1 $0x580;
	s4 =	simm.s32 @!p1 $0x7400;
	[sflag:s1] =	ssyncadd.s32 @!p1 $0xFFFFF000  }
0x67: {  	[tilespmem:s4], [sflag:$0x2] =	stream.indirect.gather @!p1 [hbm4b:s3+s12], $0x20, s0, s12, $0xb8;
	[tilespmem:$0x10400] =	vst v63  }
0x68: {  	_ =	swait.ge [sflag:s28], $0x1000  }
0x69: {  	s16 =	rddreg [dreg:$0x9];
	[sflag:s28] =	ssyncset.done $0x0  }
0x6a: {  	s1 =	simm.s32 @p1 $0x9;
	[sflag:s28] =	ssyncadd.s32 $0xFFFFF000;
	s0 =	sadd.s32 $0x0, s16  }
0x6b: {  	[hbm4b:s0+s2] =	stream.linear.scatter [tilespmem:s22], [sflag:$0x12], $0x1000, $0x38;
	[tilespmem:$0x10400] =	vst v63  }
0x6c: {  	_ =	swait.ge @p1 [sflag:s1], $0x1000  }
0x6d: {  	s4 =	simm.s32 @p1 $0xE400;
	[sflag:s1] =	ssyncset.done @p1 $0x0  }
0x6e: {  	s0 =	sadd.s32 @p1 $0x0, s6;
	[sflag:s1] =	ssyncadd.s32 @p1 $0xFFFFF000;
	s1 =	simm.s32 @!p1 $0xD  }
0x6f: {  	[hbm4b:s0+s5] =	stream.linear.scatter @p1 [tilespmem:s4], [sflag:$0x13], $0x1000, $0x38;
	[tilespmem:$0x10400] =	vst v63  }
0x70: {  	_ =	swait.ge @!p1 [sflag:s1], $0x1000  }
0x71: {  	s0 =	simm.s32 @!p1 $0x600;
	[sflag:s1] =	ssyncset.done @!p1 $0x0  }
0x72: {  	s4 =	simm.s32 @!p1 $0x8400;
	[sflag:s1] =	ssyncadd.s32 @!p1 $0xFFFFF000;
	s1 =	simm.s32 @!p1 $0x9  }
0x73: {  	[tilespmem:s4], [sflag:$0x3] =	stream.indirect.gather @!p1 [hbm4b:s3+s12], $0x20, s0, s12, $0xb8;
	[tilespmem:$0x10400] =	vst v63  }
0x74: {  	_ =	swait.ge @!p1 [sflag:s1], $0x1000  }
0x75: {  	s0 =	sadd.s32 @!p1 $0x0, s6;
	[sflag:s1] =	ssyncset.done @!p1 $0x0  }
0x76: {  	s4 =	simm.s32 @!p1 $0xE400;
	[sflag:s1] =	ssyncadd.s32 @!p1 $0xFFFFF000;
	s1 =	simm.s32 @!p1 $0xE  }
0x77: {  	[hbm4b:s0+s14] =	stream.linear.scatter @!p1 [tilespmem:s4], [sflag:$0x13], $0x1000, $0x38;
	[tilespmem:$0x10400] =	vst v63  }
0x78: {  	_ =	swait.ge @!p1 [sflag:s1], $0x1000  }
0x79: {  	[sflag:s1] =	ssyncset.done @!p1 $0x0  }
0x7a: {  	s0 =	simm.s32 @!p1 $0x680;
	s4 =	simm.s32 @!p1 $0x9400;
	[sflag:s1] =	ssyncadd.s32 @!p1 $0xFFFFF000  }
0x7b: {  	[tilespmem:s4], [sflag:$0x4] =	stream.indirect.gather @!p1 [hbm4b:s3+s12], $0x20, s0, s12, $0xb8;
	[tilespmem:$0x10400] =	vst v63  }
0x7c: {  	_ =	swait.ge [sflag:s29], $0x1000  }
0x7d: {  	s30 =	rddreg [dreg:$0x8];
	[sflag:s29] =	ssyncset.done $0x0  }
0x7e: {  	s1 =	simm.s32 @!p1 $0xF;
	[sflag:s29] =	ssyncadd.s32 $0xFFFFF000;
	s0 =	sadd.s32 $0x0, s30  }
0x7f: {  	[hbm4b:s0+s2] =	stream.linear.scatter [tilespmem:s25], [sflag:$0x14], $0x1000, $0x38;
	[tilespmem:$0x10400] =	vst v63  }
0x80: {  	s31 =	simm.s32 $0x1400;
	s14 =	simm.s32 @!p1 $0x700;
	_ =	swait.ge @!p1 [sflag:s1], $0x1000  }
0x81: {  	s4 =	simm.s32 @!p1 $0xA400;
	s0 =	simm.s32 $0x1;
	[sflag:s1] =	ssyncset.done @!p1 $0x0  }
.LBB2_2:
0x82: {  	[sflag:s1] =	ssyncadd.s32 @!p1 $0xFFFFF000  }
0x83: {  	[tilespmem:s4], [sflag:$0x5] =	stream.indirect.gather @!p1 [hbm4b:s3+s12], $0x20, s14, s12, $0xb8;
	[tilespmem:$0x10400] =	vst v63  }
0x84: {  	s1 =	smov.u32 s31;
	_ =	swait.ge [sflag:s18], $0x1000  }
0x85: {  	p1 =	seq.s32 s1, $0x0;
	s13 =	rddreg [dreg:$0x7];
	[sflag:s18] =	ssyncset.done $0x0  }
0x86: {  	s5 =	simm.s32 @!p1 $0x10;
	[sflag:s18] =	ssyncadd.s32 $0xFFFFF000;
	s4 =	sadd.s32 s1, s13  }
0x87: {  	[hbm4b:s4+s2] =	stream.linear.scatter [tilespmem:s8], [sflag:$0xB], $0x1000, $0x38;
	[tilespmem:$0x10400] =	vst v63  }
0x88: {  	_ =	swait.ge @!p1 [sflag:s5], $0x1000  }
0x89: {  	s12 =	sshra.s32 s1, $0x2;
	[sflag:s5] =	ssyncset.done @!p1 $0x0  }
0x8a: {  	s14 =	sadd.s32 $0x280, s12;
	[sflag:s5] =	ssyncadd.s32 @!p1 $0xFFFFF000  }
0x8b: {  	[tilespmem:s19], [sflag:$0x6] =	stream.indirect.gather [hbm4b:s3+s9], $0x20, s14, s9, $0xb8;
	[tilespmem:$0x10400] =	vst v63  }
0x8c: {  	_ =	swait.ge [sflag:s20], $0x1000  }
0x8d: {  	s16 =	rddreg [dreg:$0x6];
	[sflag:s20] =	ssyncset.done $0x0  }
0x8e: {  	s5 =	simm.s32 @!p1 $0x11;
	[sflag:s20] =	ssyncadd.s32 $0xFFFFF000;
	s4 =	sadd.s32 s1, s16  }
0x8f: {  	[hbm4b:s4+s2] =	stream.linear.scatter [tilespmem:s10], [sflag:$0xC], $0x1000, $0x38;
	[tilespmem:$0x10400] =	vst v63  }
0x90: {  	_ =	swait.ge @!p1 [sflag:s5], $0x1000  }
0x91: {  	[sflag:s5] =	ssyncset.done @!p1 $0x0  }
0x92: {  	s8 =	sadd.s32 $0x300, s12;
	s30 =	rddreg [dreg:$0xb];
	[sflag:s5] =	ssyncadd.s32 @!p1 $0xFFFFF000  }
0x93: {  	[tilespmem:s30], [sflag:$0x7] =	stream.indirect.gather [hbm4b:s3+s9], $0x20, s8, s9, $0xb8;
	[tilespmem:$0x10400] =	vst v63  }
0x94: {  	_ =	swait.ge [sflag:s21], $0x1000  }
0x95: {  	s10 =	rddreg [dreg:$0x5];
	[sflag:s21] =	ssyncset.done $0x0  }
0x96: {  	s5 =	simm.s32 @!p1 $0x12;
	[sflag:s21] =	ssyncadd.s32 $0xFFFFF000;
	s4 =	sadd.s32 s1, s10  }
0x97: {  	[hbm4b:s4+s2] =	stream.linear.scatter [tilespmem:s11], [sflag:$0xD], $0x1000, $0x38;
	[tilespmem:$0x10400] =	vst v63  }
0x98: {  	_ =	swait.ge @!p1 [sflag:s5], $0x1000  }
0x99: {  	[sflag:s5] =	ssyncset.done @!p1 $0x0  }
0x9a: {  	s13 =	sadd.s32 $0x380, s12;
	[sflag:s5] =	ssyncadd.s32 @!p1 $0xFFFFF000  }
0x9b: {  	[tilespmem:s22], [sflag:$0x8] =	stream.indirect.gather [hbm4b:s3+s9], $0x20, s13, s9, $0xb8;
	[tilespmem:$0x10400] =	vst v63  }
0x9c: {  	_ =	swait.ge [sflag:s23], $0x1000  }
0x9d: {  	s14 =	rddreg [dreg:$0x4];
	[sflag:s23] =	ssyncset.done $0x0  }
0x9e: {  	s5 =	simm.s32 @!p1 $0x13;
	[sflag:s23] =	ssyncadd.s32 $0xFFFFF000;
	s4 =	sadd.s32 s1, s14  }
0x9f: {  	[hbm4b:s4+s2] =	stream.linear.scatter [tilespmem:s15], [sflag:$0xE], $0x1000, $0x38;
	[tilespmem:$0x10400] =	vst v63  }
0xa0: {  	_ =	swait.ge @!p1 [sflag:s5], $0x1000  }
0xa1: {  	[sflag:s5] =	ssyncset.done @!p1 $0x0  }
0xa2: {  	s30 =	sadd.s32 $0x400, s12;
	s16 =	rddreg [dreg:$0xc];
	[sflag:s5] =	ssyncadd.s32 @!p1 $0xFFFFF000  }
0xa3: {  	[tilespmem:s16], [sflag:$0x9] =	stream.indirect.gather [hbm4b:s3+s9], $0x20, s30, s9, $0xb8;
	[tilespmem:$0x10400] =	vst v63  }
0xa4: {  	_ =	swait.ge [sflag:s24], $0x1000  }
0xa5: {  	s5 =	rddreg [dreg:$0x3];
	[sflag:s24] =	ssyncset.done $0x0  }
0xa6: {  	[sflag:s24] =	ssyncadd.s32 $0xFFFFF000;
	s4 =	sadd.s32 s1, s5;
	s5 =	simm.s32 @!p1 $0x14  }
0xa7: {  	[hbm4b:s4+s2] =	stream.linear.scatter [tilespmem:s17], [sflag:$0xF], $0x1000, $0x38;
	[tilespmem:$0x10400] =	vst v63  }
0xa8: {  	_ =	swait.ge @!p1 [sflag:s5], $0x1000  }
0xa9: {  	[sflag:s5] =	ssyncset.done @!p1 $0x0  }
0xaa: {  	s8 =	sadd.s32 $0x480, s12;
	[sflag:s5] =	ssyncadd.s32 @!p1 $0xFFFFF000  }
0xab: {  	[tilespmem:s25], [sflag:$0xA] =	stream.indirect.gather [hbm4b:s3+s9], $0x20, s8, s9, $0xb8;
	[tilespmem:$0x10400] =	vst v63  }
0xac: {  	s0 =	sadd.s32 $0x2, s0;
	_ =	swait.ge [sflag:s26], $0x1000  }
0xad: {  	p1 =	sgt.u32 s0, $0x26;
	s10 =	rddreg [dreg:$0xa];
	[sflag:s26] =	ssyncset.done $0x0  }
0xae: {  	s12 =	simm.s32 @p1 $0x7;
	[sflag:s26] =	ssyncadd.s32 $0xFFFFF000;
	s4 =	sadd.s32 s1, s10  }
0xaf: {  	[hbm4b:s4+s2] =	stream.linear.scatter [tilespmem:s19], [sflag:$0x10], $0x1000, $0x38;
	[tilespmem:$0x10400] =	vst v63  }
0xb0: {  	_ =	swait.ge @p1 [sflag:s12], $0x1000  }
0xb1: {  	s16 =	sadd.s32 @p1 s1, s7;
	s5 =	simm.s32 @p1 $0x0;
	[sflag:s12] =	ssyncset.done @p1 $0x0  }
0xb2: {  	s30 =	simm.s32 @!p1 $0xB;
	s4 =	simm.s32 @p1 $0xC400;
	[sflag:s12] =	ssyncadd.s32 @p1 $0xFFFFF000  }
0xb3: {  	[hbm4b:s16+s5] =	stream.linear.scatter @p1 [tilespmem:s4], [sflag:$0x11], $0x1000, $0x38;
	[tilespmem:$0x10400] =	vst v63  }
0xb4: {  	s14 =	sshra.s32 @!p1 s1, $0x2;
	_ =	swait.ge @!p1 [sflag:s30], $0x1000  }
0xb5: {  	s11 =	simm.s32 @!p1 $0x6400;
	s8 =	sadd.s32 @!p1 $0x500, s14;
	[sflag:s30] =	ssyncset.done @!p1 $0x0  }
0xb6: {  	s12 =	simm.s32 @!p1 $0x80;
	[sflag:s30] =	ssyncadd.s32 @!p1 $0xFFFFF000;
	s30 =	simm.s32 @!p1 $0x7  }
0xb7: {  	[tilespmem:s11], [sflag:$0x1] =	stream.indirect.gather @!p1 [hbm4b:s3+s12], $0x20, s8, s12, $0xb8;
	[tilespmem:$0x10400] =	vst v63  }
0xb8: {  	_ =	swait.ge @!p1 [sflag:s30], $0x1000  }
0xb9: {  	s13 =	simm.s32 @!p1 $0x0;
	s8 =	simm.s32 @!p1 $0xC400;
	[sflag:s30] =	ssyncset.done @!p1 $0x0  }
0xba: {  	s11 =	sadd.s32 @!p1 s1, s7;
	[sflag:s30] =	ssyncadd.s32 @!p1 $0xFFFFF000;
	s30 =	simm.s32 @!p1 $0xC  }
0xbb: {  	[hbm4b:s11+s13] =	stream.linear.scatter @!p1 [tilespmem:s8], [sflag:$0x11], $0x1000, $0x38;
	[tilespmem:$0x10400] =	vst v63  }
0xbc: {  	_ =	swait.ge @!p1 [sflag:s30], $0x1000  }
0xbd: {  	[sflag:s30] =	ssyncset.done @!p1 $0x0  }
0xbe: {  	s10 =	sadd.s32 @!p1 $0x580, s14;
	s8 =	simm.s32 @!p1 $0x7400;
	[sflag:s30] =	ssyncadd.s32 @!p1 $0xFFFFF000  }
0xbf: {  	[tilespmem:s8], [sflag:$0x2] =	stream.indirect.gather @!p1 [hbm4b:s3+s12], $0x20, s10, s12, $0xb8;
	[tilespmem:$0x10400] =	vst v63  }
0xc0: {  	_ =	swait.ge [sflag:s28], $0x1000  }
0xc1: {  	s11 =	rddreg [dreg:$0x9];
	[sflag:s28] =	ssyncset.done $0x0  }
0xc2: {  	s10 =	simm.s32 @p1 $0x9;
	[sflag:s28] =	ssyncadd.s32 $0xFFFFF000;
	s8 =	sadd.s32 s1, s11  }
0xc3: {  	[hbm4b:s8+s2] =	stream.linear.scatter [tilespmem:s22], [sflag:$0x12], $0x1000, $0x38;
	[tilespmem:$0x10400] =	vst v63  }
0xc4: {  	_ =	swait.ge @p1 [sflag:s10], $0x1000  }
0xc5: {  	s11 =	simm.s32 @p1 $0xE400;
	[sflag:s10] =	ssyncset.done @p1 $0x0  }
0xc6: {  	s8 =	sadd.s32 @p1 s1, s6;
	[sflag:s10] =	ssyncadd.s32 @p1 $0xFFFFF000;
	s10 =	simm.s32 @!p1 $0xD  }
0xc7: {  	[hbm4b:s8+s5] =	stream.linear.scatter @p1 [tilespmem:s11], [sflag:$0x13], $0x1000, $0x38;
	[tilespmem:$0x10400] =	vst v63  }
0xc8: {  	_ =	swait.ge @!p1 [sflag:s10], $0x1000  }
0xc9: {  	s4 =	sadd.s32 @!p1 $0x600, s14;
	[sflag:s10] =	ssyncset.done @!p1 $0x0  }
0xca: {  	s5 =	simm.s32 @!p1 $0x8400;
	s8 =	simm.s32 @!p1 $0x9;
	[sflag:s10] =	ssyncadd.s32 @!p1 $0xFFFFF000  }
0xcb: {  	[tilespmem:s5], [sflag:$0x3] =	stream.indirect.gather @!p1 [hbm4b:s3+s12], $0x20, s4, s12, $0xb8;
	[tilespmem:$0x10400] =	vst v63  }
0xcc: {  	_ =	swait.ge @!p1 [sflag:s8], $0x1000  }
0xcd: {  	s4 =	sadd.s32 @!p1 s1, s6;
	[sflag:s8] =	ssyncset.done @!p1 $0x0  }
0xce: {  	s5 =	simm.s32 @!p1 $0xE400;
	[sflag:s8] =	ssyncadd.s32 @!p1 $0xFFFFF000;
	s8 =	simm.s32 @!p1 $0xE  }
0xcf: {  	[hbm4b:s4+s13] =	stream.linear.scatter @!p1 [tilespmem:s5], [sflag:$0x13], $0x1000, $0x38;
	[tilespmem:$0x10400] =	vst v63  }
0xd0: {  	_ =	swait.ge @!p1 [sflag:s8], $0x1000  }
0xd1: {  	s31 =	sadd.s32 $0x1400, s31;
	[sflag:s8] =	ssyncset.done @!p1 $0x0  }
0xd2: {  	s16 =	sadd.s32 @!p1 $0x680, s14;
	s4 =	simm.s32 @!p1 $0x9400;
	[sflag:s8] =	ssyncadd.s32 @!p1 $0xFFFFF000  }
0xd3: {  	[tilespmem:s4], [sflag:$0x4] =	stream.indirect.gather @!p1 [hbm4b:s3+s12], $0x20, s16, s12, $0xb8;
	[tilespmem:$0x10400] =	vst v63  }
0xd4: {  	p0 =	sne.s32 s31, $0x19000;
	s14 =	sadd.s32 @!p1 $0x700, s14;
	_ =	swait.ge [sflag:s29], $0x1000  }
.Ltmp0:
0xd5: {  	s30 =	rddreg [dreg:$0x8];
	[sflag:s29] =	ssyncset.done $0x0;
	(pc) =	sbr.rel @p0 .LBB2_2-.Ltmp0, $4  }
0xd6: {  	[sflag:s29] =	ssyncadd.s32 $0xFFFFF000;
	s4 =	sadd.s32 s1, s30;
	s1 =	simm.s32 @!p1 $0xF  }
0xd7: {  	[hbm4b:s4+s2] =	stream.linear.scatter [tilespmem:s25], [sflag:$0x14], $0x1000, $0x38;
	[tilespmem:$0x10400] =	vst v63  }
0xd8: {  	s11 =	simm.s32 $0x8400;
	s10 =	simm.s32 $0x7400;
	_ =	swait.ge @!p1 [sflag:s1], $0x1000  }
0xd9: {  	s8 =	simm.s32 $0x6400;
	s4 =	simm.s32 @!p1 $0xA400;
	[sflag:s1] =	ssyncset.done @!p1 $0x0  }
0xda: {  	[sflag:s1] =	ssyncadd.s32 @!p1 $0xFFFFF000;
	s0 =	simm.s32 $0xB  }
0xdb: {  	[tilespmem:s4], [sflag:$0x5] =	stream.indirect.gather @!p1 [hbm4b:s3+s12], $0x20, s14, s12, $0xb8;
	[tilespmem:$0x10400] =	vst v63  }
0xdc: {  	_ =	swait.ge [sflag:s0], $0x1000  }
0xdd: {  	[sflag:s0] =	ssyncset.done $0x0  }
0xde: {  	s30 =	simm.s32 $0xC;
	[sflag:s0] =	ssyncadd.s32 $0xFFFFF000  }
0xdf: {  	_ =	swait.ge [sflag:s30], $0x1000  }
0xe0: {  	[sflag:s30] =	ssyncset.done $0x0  }
0xe1: {  	s31 =	simm.s32 $0xD;
	[sflag:s30] =	ssyncadd.s32 $0xFFFFF000  }
0xe2: {  	_ =	swait.ge [sflag:s31], $0x1000  }
0xe3: {  	[sflag:s31] =	ssyncset.done $0x0  }
0xe4: {  	s1 =	simm.s32 $0xE;
	[sflag:s31] =	ssyncadd.s32 $0xFFFFF000  }
0xe5: {  	_ =	swait.ge [sflag:s1], $0x1000  }
0xe6: {  	[sflag:s1] =	ssyncset.done $0x0  }
0xe7: {  	s4 =	simm.s32 $0xF;
	[sflag:s1] =	ssyncadd.s32 $0xFFFFF000  }
0xe8: {  	_ =	swait.ge [sflag:s4], $0x1000  }
0xe9: {  	[sflag:s4] =	ssyncset.done $0x0  }
0xea: {  	s5 =	simm.s32 $0x10;
	[sflag:s4] =	ssyncadd.s32 $0xFFFFF000  }
0xeb: {  	_ =	swait.ge [sflag:s5], $0x1000  }
0xec: {  	[sflag:s5] =	ssyncset.done $0x0  }
0xed: {  	s12 =	simm.s32 $0x11;
	[sflag:s5] =	ssyncadd.s32 $0xFFFFF000  }
0xee: {  	_ =	swait.ge [sflag:s12], $0x1000  }
0xef: {  	[sflag:s12] =	ssyncset.done $0x0  }
0xf0: {  	s13 =	simm.s32 $0x12;
	[sflag:s12] =	ssyncadd.s32 $0xFFFFF000  }
0xf1: {  	_ =	swait.ge [sflag:s13], $0x1000  }
0xf2: {  	[sflag:s13] =	ssyncset.done $0x0  }
0xf3: {  	s14 =	simm.s32 $0x13;
	[sflag:s13] =	ssyncadd.s32 $0xFFFFF000  }
0xf4: {  	_ =	swait.ge [sflag:s14], $0x1000  }
0xf5: {  	[sflag:s14] =	ssyncset.done $0x0  }
0xf6: {  	s16 =	simm.s32 $0x14;
	[sflag:s14] =	ssyncadd.s32 $0xFFFFF000  }
0xf7: {  	_ =	swait.ge [sflag:s16], $0x1000  }
0xf8: {  	s30 =	rddreg [dreg:$0xf]  }
0xf9: {  	s31 =	rddreg [dreg:$0xe];
	s4 =	sadd.s32 $0x1, s30  }
0xfa: {  	p0 =	sne.s32 s4, s31  }
.Ltmp1:
0xfb: {  	_ = 	snop;
	(pc) =	sbr.rel @p0 .LBB2_1-.Ltmp1, $3  }
0xfc: {  	_ =	sdelay $0x1  }
0xfd: {  	[sflag:s16] =	ssyncset.done $0x0  }
0xfe: {  	[sflag:s16] =	ssyncadd.s32 $0xFFFFF000  }
0xff: {  	_ =	sfence.sel $0x180000  }
0x100: {  	[bflag:$0x0] =	sbarrier.arrive $0xFFFF  }
0x101: {  	_ =	strace $0x90000047  }
0x102: {  	s0 =	stileid.u32;
	[bflag:$0x2] =	sbarrier.arrive $0xFFFF  }
0x103: {  	p0 =	sne.s32 s0, $0x0;
	s0 =	rddreg [dreg:$0x2]  }
0x104: {  	s0 =	sadd.s32 @!p0 $0x100000, s0  }
0x105: {  	[sflag:s0] =	ssyncadd.tile.s32 @!p0 $0x1;
	_ =	shalt  }
.Lfunc_end2:
_tile_overlayer_lowered:
.L_overlay_start_2:
0x106: {  	(tag) =	ssettag $0x2  }
0x107: {  	s0 =	rddreg [dreg:$0x0];
	s2 =	stileid.u32  }
0x108: {  	s1 =	rddreg [dreg:$0x1];
	p0 =	sne.s32 s2, $0x0  }
0x109: {  	s3 =	rddreg [dreg:$0x2];
	[bflag:$0x3] =	sbarrier.arrive $0xFFFF;
	s2 =	simm.s32 @!p0 $0x1C15  }
0x10a: {  	[timem:s3], [sflag:s2] =	dma.local @!p0 [hbm:s0], s1  }
0x10b: {  	s0 =	simm.s32 @!p0 $0x15  }
0x10c: {  	_ =	swait.ge @!p0 [sflag:s0], s1  }
0x10d: {  	s1 =	ssub.s32 @!p0 $0x0, s1;
	[sflag:s0] =	ssyncset.done @!p0 $0x0  }
0x10e: {  	[sflag:s0] =	ssyncadd.s32 @!p0 s1  }
0x10f: {  	[bflag:$0x3] =	sbarrier.arrive $0xFFFF  }
0x110: {  	_ =	shalt  }

// kernel: sparse-core-data-format-call.cloned.1.call-start
scs
called_computation_lowered:
.L_overlay_start_0:
0x0: {  	s2 =	sld [smem:$0x3FD9]  }
0x1: {  	s3 =	sld [smem:$0x3FFE];
	_ =	sdelay $0x1  }
0x2: {  	s1 =	srdreg.scid  }
0x3: {  	s0 =	sand.u32 $0x1, s1  }
0x4: {  	s18 =	sshll.u32 s0, $0xA;
	s2 =	sadd.s32 s3, s2  }
0x5: {  	s2 =	sadd.s32 s2, s18  }
0x6: {  	[smem:$0x3FC6] =	sst s2  }
0x7: {  	_ = 	snop  }
0x8: {  	s2 =	sld [smem:$0x3FD0];
	(tm) =	ssettm $0x1  }
0x9: {  	s19 =	sld [smem:$0x3FFB];
	_ =	sdelay $0x3  }
0xa: {  	_ =	strace s19  }
0xb: {  	s3 =	sld [smem:$0x3FFC];
	_ =	sdelay $0x3  }
0xc: {  	_ =	strace s3  }
0xd: {  	s3 =	sld [smem:$0x3FFD];
	_ =	sdelay $0x3  }
0xe: {  	_ =	strace s3  }
0xf: {  	_ =	strace $0x8FFFFFFF  }
0x10: {  	s20 =	sld [smem:$0x3FDB];
	_ =	sdelay $0x1  }
0x11: {  	s4 =	simm.s32 $_scs_section_size  }
0x12: {  	s5 =	simm.s32 $_size__tile_overlayer_lowered;
	s6 =	simm.s32 $_tile_overlayer_lowered  }
0x13: {  	s23 =	simm.s32 $0x1BFF;
	s22 =	sshll.u32 s6, $0x1;
	s3 =	sadd.s32 s4, s20  }
0x14: {  	s7 =	simm.s32 $0x0;
	s21 =	sshll.u32 s5, $0x1;
	s5 =	sadd.s32 s22, s3  }
0x15: {  	[timem:s7], [sflag:s23] =	dma.local [hbm:s5], s21  }
0x16: {  	_ =	swait.ge [sflag:s23], s21  }
0x17: {  	s4 =	ssub.s32 $0x0, s21;
	[sflag:s23] =	ssyncset.done $0x0  }
0x18: {  	[sflag:s23] =	ssyncadd.s32 s4;
	_ =	sdelay $0x1  }
0x19: {  	s24 =	simm.s32 $0x1B8B  }
0x1a: {  	_ =	swait.ge [sflag:s24], $0x1  }
0x1b: {  	[sflag:s24] =	ssyncset.done $0x0  }
0x1c: {  	s26 =	simm.s32 $0x1B8E;
	s25 =	sld [smem:$0x3FFE];
	[sflag:s24] =	ssyncadd.s32 $0xFFFFFFFF  }
0x1d: {  	s27 =	simm.s32 $execute0_lowered;
	[smem:$0x3FD2] =	sst s26  }
0x1e: {  	s5 =	sshll.u32 s27, $0x1;
	_ =	strace $0x80000049;
	[dreg:$0x1] =	wrdreg $0xFFFFFFFF  }
0x1f: {  	s28 =	simm.s32 $_size_execute0_lowered;
	s3 =	sadd.s32 s3, s5;
	[dreg:$0x0] =	wrdreg $0x0  }
0x20: {  	s5 =	sshll.u32 s28, $0x1;
	[dreg:$0x2] =	wrdreg s3  }
0x21: {  	[dreg:$0x3] =	wrdreg s5  }
0x22: {  	[dreg:$0x4] =	wrdreg $0xC0  }
0x23: {  	_ =	task [dreg:s7], $0x5FFFF  }
0x24: {  	[dreg:$0x1] =	wrdreg $0xFFFFFFFF  }
0x25: {  	[dreg:$0x0] =	wrdreg $0x60  }
0x26: {  	[dreg:$0x2] =	wrdreg s25  }
0x27: {  	[dreg:$0x3] =	wrdreg s2  }
0x28: {  	[dreg:$0x4] =	wrdreg $0x9  }
0x29: {  	_ =	task.clear_ibuf [dreg:s7], $0x5FFFF;
	_ =	strace $0x90000049  }
0x2a: {  	s29 =	simm.s32 $0x9;
	_ =	strace $0x8000004B  }
0x2b: {  	_ =	swait.ge [sflag:s29], $0x1  }
0x2c: {  	[sflag:s29] =	ssyncadd.s32 $0xFFFFFFFF  }
0x2d: {  	_ =	strace $0x9000004B  }
0x2e: {  	_ =	sfence  }
0x2f: {  	s30 =	sld [smem:$0x0];
	_ =	sdelay $0x2  }
0x30: {  	s31 =	sshll.u32 s1, $0xD;
	s1 =	sshrl.u32 s1, $0x2  }
0x31: {  	s3 =	sand.u32 $0x4000, s31;
	s1 =	sadd.s32 s1, s30  }
0x32: {  	s0 =	sor.u32 s3, s0;
	s1 =	sshll.u32 s1, $0x11  }
0x33: {  	s0 =	sor.u32 s1, s0  }
0x34: {  	s0 =	sadd.s32 $0x8F2B, s0  }
0x35: {  	[sflag:s0] =	ssyncadd.remote.s32 $0x1  }
0x36: {  	_ =	sfence.sel $0xFFFF  }
0x37: {  	[dreg:$0x0] =	wrdreg $0xFFFFFFFF;
	(pc) =	sbr.abs _section_cstart, $3  }
0x38: {  	[dreg:$0x1] =	wrdreg $0xFFFFFFFF  }
0x39: {  	_ =	task.clear_ibuf [dreg:s7], $0x2FFFF;
	_ =	strace $0x9FFFFFFF  }
0x3a: {  	(tm) =	ssettm $0x7FFFFFFF  }
0x3b: {  	_ =	shalt  }
tec
execute0_lowered:
.L_overlay_start_1:
0x0: {  	(tag) =	ssettag $0x1  }
0x1: {  	s0 =	srdreg.scid  }
0x2: {  	s1 =	sshll.u32 s0, $0x4  }
0x3: {  	s0 =	stileid.u32;
	s1 =	sand.u32 $0x10, s1  }
0x4: {  	s1 =	sor.u32 s0, s1  }
0x5: {  	s6 =	rddreg [dreg:$0x0];
	s4 =	simm.s32 $0x1;
	s2 =	sshll.u32 s1, $0x7  }
0x6: {  	s7 =	simm.s32 $0x2;
	s12 =	simm.s32 $0x0;
	s1 =	ssub.s32 $0x1000, s2  }
0x7: {  	s8 =	simm.s32 $0x8000;
	s13 =	simm.s32 $0x0;
	s3 =	sand.u32 $0xF80, s1  }
0x8: {  	s9 =	simm.s32 $0x0;
	s5 =	sshrl.u32 s1, $0xC;
	p0 =	sne.s32 s3, $0x0  }
.Ltmp0:
0x9: {  	s1 =	rddreg [dreg:$0x2];
	s4 =	simm.s32 @!p0 $0x0;
	(pc) =	sbr.rel .LBB1_1-.Ltmp0, $4  }
0xa: {  	s11 =	simm.s32 $0x0;
	s3 =	rddreg [dreg:$0x1];
	s5 =	sadd.s32 s4, s5  }
0xb: {  	_ =	strace $0x8000004A;
	s4 =	simm.s32 $0x1;
	s5 =	smul.u32 $0xC8, s5  }
0xc: {  	s6 =	sadd.s32 $0xA00, s6;
	s10 =	smov.u32 s2;
	[sflag:s4] =	ssyncpa.u1 $0x0  }
0xd: {  	p0 =	por $0x0, $0x0;
	[sflag:s7] =	ssyncpa.u1 $0x0;
	s7 =	sor.u32 $0x1, s5  }
.LBB1_4:
0xe: {  	s16 =	sshll.u32 s13, $0x3;
	s17 =	sand.u32 $0x78, s13  }
0xf: {  	s30 =	sand.u32 $0x3E00, s13;
	s12 =	sshll.u32 s12, $0xE;
	s16 =	sand.u32 $0xC00, s16  }
0x10: {  	s31 =	sand.u32 $0x7, s13;
	s16 =	sor.u32 s17, s16;
	s17 =	sadd.s32 s3, s30  }
0x11: {  	s13 =	sshll.u32 s31, $0x12;
	s16 =	sshrl.u32 s16, $0x3;
	s12 =	sadd.s32 s12, s17  }
0x12: {  	[tilespmem:s15+$0x0 ss:$0x81] =	vst.msk $0xffff, v0;
	s13 =	sor.u32 $0x400, s13;
	s12 =	sadd.s32 s16, s12  }
0x13: {  	[hbm4b:s12+s13] =	stream.strided.scatter [tilespmem:s14], [sflag:$0x2], $0x1000, s8, s13, $0x20;
	[tilespmem:$0x4040] =	vst v63  }
.LBB1_5:
0x14: {  	s14 =	sadd.s32 $0x1, s9  }
0x15: {  	s12 =	sadd.s32 $0x1000, s10;
	s16 =	smov.u32 s10;
	p2 =	sgt.s32 s14, $0xC7  }
0x16: {  	s16 =	smov.u32 @p2 s12  }
0x17: {  	s14 =	simm.s32 @p2 $0x0;
	p2 =	sgt.s32 s16, $0xFFF  }
0x18: {  	s16 =	smov.u32 @p2 s2;
	p2 =	sne.s32 s11, s7  }
.Ltmp1:
0x19: {  	p1 =	slt.u32 s11, $0x2;
	(pc) =	sbr.rel @!p2 .LBB1_6-.Ltmp1, $4  }
0x1a: {  	s15 =	simm.s32 @!p1 $0x2  }
0x1b: {  	s13 =	smov.u32 s10;
	p0 =	por !p0, !p0;
	_ =	swait.ge @!p1 [sflag:s15], $0x1000  }
0x1c: {  	s12 =	smov.u32 s9;
	[sflag:s15] =	ssyncset.done @!p1 $0x0;
	s9 =	smov.u32 s14  }
0x1d: {  	s11 =	sadd.s32 $0x1, s11;
	[sflag:s15] =	ssyncadd.s32 @!p1 $0xFFFFF000;
	s10 =	smov.u32 s16  }
.LBB1_1:
0x1e: {  	p1 =	sge.u32 s11, s5  }
0x1f: {  	s14 =	sand.u32 @!p1 $0x1FFFFFF, s9  }
0x20: {  	s15 =	smulhi.u32 @!p1 $0x147AE15, s14;
	_ =	sdelay $0x1  }
0x21: {  	s15 =	smul.u32 @!p1 $0xC8, s15  }
0x22: {  	s16 =	sxor.u32 @!p1 $0xFFFFFFFF, s11;
	s17 =	smul.u32 @!p1 $0xC80, s10  }
0x23: {  	s31 =	sadd.s32 $0xFFFFFFFF, s11;
	s16 =	sshll.u32 @!p1 s16, $0xC;
	s14 =	ssub.s32 @!p1 s14, s15  }
0x24: {  	s15 =	sand.u32 @!p1 $0x1000, s16;
	s16 =	sadd.s32 @!p1 s6, s17;
	s14 =	sshll.u32 @!p1 s14, $0x4  }
0x25: {  	s17 =	simm.s32 @!p1 $0x6400;
	s14 =	sadd.s32 @!p1 s14, s16;
	s16 =	simm.s32 @!p1 $0x20  }
0x26: {  	[tilespmem:s15], [sflag:$0x1] =	stream.strided.gather @!p1 [hbm4b:s14+s16], $0x1000, s17, s16, $0x38;
	[tilespmem:$0x4040] =	vst v63  }
0x27: {  	p1 =	sge.u32 s31, s5  }
.Ltmp2:
0x28: {  	_ = 	snop;
	(pc) =	sbr.rel @p1 .LBB1_5-.Ltmp2, $1  }
0x29: {  	_ =	sdelay $0x3  }
0x2a: {  	s14 =	simm.s32 $0x1  }
0x2b: {  	_ =	swait.ge [sflag:s4], $0x1000;
	s14 =	simm.s32 @!p0 $0x0  }
0x2c: {  	[sflag:s4] =	ssyncset.done $0x0;
	s15 =	sshll.u32 s14, $0xC  }
0x2d: {  	[sflag:s4] =	ssyncadd.s32 $0xFFFFF000;
	s18 =	sor.u32 $0x10, s15  }
0x2e: {  	s14 =	smul.u32 $0x4080, s14;
	v1 =	vld [tilespmem:s18+$0x0]  }
0x2f: {  	s30 =	sand.u32 $0x1, s11;
	v0 =	vld [tilespmem:s18+$0xFFFFFFF0]  }
0x30: {  	s15 =	smul.u32 $0x4080, s30;
	s14 =	sshrl.u32 s14, $0x2  }
0x31: {  	s16 =	sor.u32 $0x2000, s14  }
0x32: {  	s31 =	sshrl.u32 s15, $0x2;
	s15 =	sadd.s32 $0x0, s16  }
0x33: {  	s17 =	simm.s32 $0x4;
	s18 =	sadd.s32 $0x20, s18;
	s14 =	sor.u32 $0x2000, s31;
	[tilespmem:s15+$0x810 ss:$0x81] =	vst.msk $0xffff, v1  }
.LBB1_3:
0x34: {  	v1 =	vld [tilespmem:s18+$0x0];
	p1 =	sne.s32 s17, $0x1FC;
	[tilespmem:s15+$0x0 ss:$0x81] =	vst.msk $0xffff, v0;
	s15 =	smov.u32 s17;
	s17 =	sadd.s32 $0x4, s17  }
.Ltmp3:
0x35: {  	v0 =	vld [tilespmem:s18+$0xFFFFFFF0];
	(pc) =	sbr.rel @p1 .LBB1_3-.Ltmp3, $4  }
0x36: {  	_ = 	snop  }
0x37: {  	s15 =	sshra.s32 s15, $0x2  }
0x38: {  	s15 =	sadd.s32 s15, s16  }
0x39: {  	s18 =	sadd.s32 $0x20, s18;
	[tilespmem:s15+$0x810 ss:$0x81] =	vst.msk $0xffff, v1  }
.Ltmp4:
0x3a: {  	_ = 	snop;
	(pc) =	sbr.rel .LBB1_4-.Ltmp4, $1  }
0x3b: {  	_ =	sdelay $0x3  }
.LBB1_6:
0x3c: {  	_ =	sfence.sel $0x180000  }
0x3d: {  	s2 =	simm.s32 $0x1;
	[bflag:$0x0] =	sbarrier.arrive $0xFFFF  }
0x3e: {  	s31 =	simm.s32 $0x2;
	[sflag:s2] =	ssyncpa.u1 $0x1  }
0x3f: {  	[sflag:s31] =	ssyncpa.u1 $0x1  }
0x40: {  	p0 =	sne.s32 s0, $0x0;
	_ =	strace $0x9000004A  }
0x41: {  	s0 =	sadd.s32 @!p0 $0x100000, s1;
	[bflag:$0x2] =	sbarrier.arrive $0xFFFF  }
0x42: {  	[sflag:s0] =	ssyncadd.tile.s32 @!p0 $0x1;
	_ =	shalt  }
.Lfunc_end1:
_tile_overlayer_lowered:
.L_overlay_start_2:
0x43: {  	(tag) =	ssettag $0x2  }
0x44: {  	s0 =	rddreg [dreg:$0x0];
	s2 =	stileid.u32  }
0x45: {  	s1 =	rddreg [dreg:$0x1];
	p0 =	sne.s32 s2, $0x0  }
0x46: {  	s3 =	rddreg [dreg:$0x2];
	[bflag:$0x3] =	sbarrier.arrive $0xFFFF;
	s2 =	simm.s32 @!p0 $0x1C01  }
0x47: {  	[timem:s3], [sflag:s2] =	dma.local @!p0 [hbm:s0], s1  }
0x48: {  	s0 =	simm.s32 @!p0 $0x1  }
0x49: {  	_ =	swait.ge @!p0 [sflag:s0], s1  }
0x4a: {  	s1 =	ssub.s32 @!p0 $0x0, s1;
	[sflag:s0] =	ssyncset.done @!p0 $0x0  }
0x4b: {  	[sflag:s0] =	ssyncadd.s32 @!p0 s1  }
0x4c: {  	[bflag:$0x3] =	sbarrier.arrive $0xFFFF  }
0x4d: {  	_ =	shalt  }

</sc_bundles>
